<compile_context>
chip_gen: v7x
topology: tpu7x:2x2x1
jax: 0.10.2.dev20260603
libtpu: 0.0.44.dev20260713+nightly
codegen_flags: <defaults>
</compile_context>

<pallas_src>
import jax
import jax.numpy as jnp
from jax import lax
from jax.experimental import pallas as pl
from jax.experimental.pallas import tpu as pltpu
from jax.experimental.pallas import tpu_sc as plsc

_D = 64
_B = 16384
_DIM = 128

_NC = 2
_NS = 16
_NW = _NC * _NS
_BPW = _B // _NW
_CHUNK = 128
_NCHUNK = _BPW // _CHUNK
_HALF = 2


def _gather_body(x_hbm, e_hbm, o, idx_v, rows_v, sem):
    wid = lax.axis_index("s") * _NC + lax.axis_index("c")
    base = wid * _BPW
    cbase = wid * _NCHUNK
    pltpu.sync_copy(x_hbm.at[pl.ds(cbase, _NCHUNK)], idx_v)
    for h in range(_NCHUNK // _HALF):
        copies = [
            pltpu.async_copy(
                e_hbm.at[idx_v.at[h * _HALF + j]],
                rows_v.at[pl.ds(j * _CHUNK, _CHUNK)],
                sem,
            )
            for j in range(_HALF)
        ]
        for c in copies:
            c.wait()
        pltpu.sync_copy(
            rows_v,
            o.at[pl.ds(base + h * _HALF * _CHUNK, _HALF * _CHUNK)],
        )


def _make_gather():
    mesh = plsc.VectorSubcoreMesh(core_axis_name="c", subcore_axis_name="s")
    return pl.kernel(
        _gather_body,
        mesh=mesh,
        out_type=jax.ShapeDtypeStruct((_B, 2 * _D), jnp.float32),
        scratch_types=[
            pltpu.VMEM((_NCHUNK, _CHUNK), jnp.int32),
            pltpu.VMEM((_HALF * _CHUNK, 2 * _D), jnp.float32),
            pltpu.SemaphoreType.DMA,
        ],
        compiler_params=pltpu.CompilerParams(use_tc_tiling_on_sc=True),
    )


def _mlp_body(p1, p2, p3, par, w1, b1, w2, b2, o):
    h = None
    for t, pt in enumerate((p1, p2, p3)):
        x = pt[...]
        pcol = par[:, t:t + 1]
        sel = x[:, :_D] * (1.0 - pcol) + x[:, _D:] * pcol
        acc = jnp.dot(sel, w1[t * _D:(t + 1) * _D, :],
                      preferred_element_type=jnp.float32)
        h = acc if h is None else h + acc
    h = h + b1[...]
    h = h * jax.nn.sigmoid(h)
    o[...] = jnp.dot(h, w2[...], preferred_element_type=jnp.float32) + b2[...]


def _mlp_call(p1, p2, p3, par, W1, b1, W2, b2):
    r = 2048
    espec = pl.BlockSpec((r, 2 * _D), lambda i: (i, 0))
    full = lambda s: pl.BlockSpec(s, lambda i: (0, 0))
    return pl.pallas_call(
        _mlp_body,
        grid=(_B // r,),
        in_specs=[espec, espec, espec,
                  pl.BlockSpec((r, 3), lambda i: (i, 0)),
                  full((3 * _D, _DIM)), full((1, _DIM)),
                  full((_DIM, _DIM)), full((1, _DIM))],
        out_specs=pl.BlockSpec((r, _DIM), lambda i: (i, 0)),
        out_shape=jax.ShapeDtypeStruct((_B, _DIM), jnp.float32),
    )(p1, p2, p3, par, W1, b1.reshape(1, _DIM), W2, b2.reshape(1, _DIM))


def kernel(x, E1, E2, E3, W1, b1, W2, b2):
    xi = x.astype(jnp.int32)
    x_r = (xi >> 1).reshape(3, _B // _CHUNK, _CHUNK)
    par = (xi & 1).astype(jnp.float32).T
    gather = _make_gather()
    ps = [
        gather(x_r[t], E.reshape(E.shape[0] // 2, 2 * _D))
        for t, E in enumerate((E1, E2, E3))
    ]
    return _mlp_call(ps[0], ps[1], ps[2], par, W1, b1, W2, b2)

# --- scband reference (transcript-rebuilt; emitter-appended) ---
"""Pipeline reference for scband-conditional-embedding-44109314130185 (READ-ONLY COPY).

The authoritative reference and input builder live on the scoring server;
editing this copy changes nothing except your own understanding.
"""

import jax, jax.numpy as jnp
import numpy as np

NUM_LABELS = 100000
D_MODEL = 64
DIM = 128
BATCH = 16384


def setup_inputs(seed: int = 0) -> dict:
    key = jax.random.key(seed)
    ks = jax.random.split(key, 8)
    x = jax.random.randint(ks[0], (3, BATCH), 0, NUM_LABELS, dtype=jnp.int64) if jax.config.jax_enable_x64 else jax.random.randint(ks[0], (3, BATCH), 0, NUM_LABELS, dtype=jnp.int32)
    E1 = jax.random.normal(ks[1], (NUM_LABELS, D_MODEL), dtype=jnp.float32) * 0.02
    E2 = jax.random.normal(ks[2], (NUM_LABELS, D_MODEL), dtype=jnp.float32) * 0.02
    E3 = jax.random.normal(ks[3], (NUM_LABELS, D_MODEL), dtype=jnp.float32) * 0.02
    # padding_idx=0 -> row 0 is zeros
    E1 = E1.at[0].set(0.0)
    E2 = E2.at[0].set(0.0)
    E3 = E3.at[0].set(0.0)
    W1 = jax.random.normal(ks[4], (3 * D_MODEL, DIM), dtype=jnp.float32) * (1.0 / np.sqrt(3 * D_MODEL))
    b1 = jnp.zeros((DIM,), dtype=jnp.float32)
    W2 = jax.random.normal(ks[5], (DIM, DIM), dtype=jnp.float32) * (1.0 / np.sqrt(DIM))
    b2 = jnp.zeros((DIM,), dtype=jnp.float32)
    return {"x": x, "E1": E1, "E2": E2, "E3": E3, "W1": W1, "b1": b1, "W2": W2, "b2": b2}


def reference(x, E1, E2, E3, W1, b1, W2, b2):
    # three embedding lookups (gather), padding_idx=0 rows are zero in the tables
    e1 = jnp.take(E1, x[0], axis=0)
    e2 = jnp.take(E2, x[1], axis=0)
    e3 = jnp.take(E3, x[2], axis=0)
    concatenated = jnp.concatenate([e1, e2, e3], axis=-1)
    h = concatenated @ W1 + b1
    h = jax.nn.silu(h)
    out = h @ W2 + b2
    return out

if __name__ == "__main__":
    import jax
    _d = setup_inputs()
    print(jax.jit(kernel)(*tuple(_d.values())))

</pallas_src>

<mosaic_0001>
#map = affine_map<(d0, d1) -> (0, 0)>
module attributes {stable_mosaic.version = 14 : i64} {
  func.func @_gather_body(%arg0: i32, %arg1: i32, %arg2: memref<128x128xi32, #tpu.memory_space<hbm>>, %arg3: memref<50000x128xf32, #tpu.memory_space<hbm>>, %arg4: memref<16384x128xf32, #tpu.memory_space<hbm>>, %arg5: memref<4x128xi32, #tpu.memory_space<vmem>>, %arg6: memref<256x128xf32, #tpu.memory_space<vmem>>, %arg7: memref<!tpu.dma_semaphore, #tpu.memory_space<semaphore_mem>>) attributes {dimension_semantics = [#tpu.dimension_semantics<core_parallel>, #tpu.dimension_semantics<subcore_parallel>], iteration_bounds = array<i64: 2, 16>, scalar_prefetch = 0 : i64, scratch_operands = 3 : i64, tpu.core_type = #tpu.core_type<sc_vector_subcore>, window_params = [{transform_indices = #map}, {transform_indices = #map}, {transform_indices = #map}]} {
    %mul3A = arith.constant 2 : i32
    %mul3A_0 = arith.muli %arg1, %mul3A : i32
    %add3A = arith.addi %mul3A_0, %arg0 : i32
    %mul3A_1 = arith.constant 512 : i32
    %mul3A_2 = arith.muli %add3A, %mul3A_1 : i32
    %mul3A_3 = arith.constant 4 : i32
    %mul3A_4 = arith.muli %add3A, %mul3A_3 : i32
    "tpu.region"() ({
      %run_scoped3A = tpu.sem_alloc : memref<!tpu.dma_semaphore, #tpu.memory_space<semaphore_mem>>
      %dma_start3A_87 = arith.constant 0 : i32
      %dma_start3A_88 = tpu.memref_slice %arg2[%mul3A_4, %dma_start3A_87] : memref<128x128xi32, #tpu.memory_space<hbm>> -> memref<4x128xi32, #tpu.memory_space<hbm>>
      %dma_start3A_89 = arith.constant 0 : i32
      %dma_start3A_90 = tpu.memref_slice %arg2[%mul3A_4, %dma_start3A_89] : memref<128x128xi32, #tpu.memory_space<hbm>> -> memref<4x128xi32, #tpu.memory_space<hbm>>
      tpu.enqueue_dma source(%dma_start3A_90 : memref<4x128xi32, #tpu.memory_space<hbm>>) target(%arg5 : memref<4x128xi32, #tpu.memory_space<vmem>>) target_semaphore(%run_scoped3A : memref<!tpu.dma_semaphore, #tpu.memory_space<semaphore_mem>>)
      %dma_wait3A_91 = arith.constant 0 : i32
      %dma_wait3A_92 = tpu.memref_slice %arg2[%mul3A_4, %dma_wait3A_91] : memref<128x128xi32, #tpu.memory_space<hbm>> -> memref<4x128xi32, #tpu.memory_space<hbm>>
      %dma_wait3A_93 = arith.constant 0 : i32
      %dma_wait3A_94 = tpu.memref_slice %arg2[%mul3A_4, %dma_wait3A_93] : memref<128x128xi32, #tpu.memory_space<hbm>> -> memref<4x128xi32, #tpu.memory_space<hbm>>
      tpu.wait_dma2 semaphore(%run_scoped3A : memref<!tpu.dma_semaphore, #tpu.memory_space<semaphore_mem>>) src(%dma_wait3A_94 : memref<4x128xi32, #tpu.memory_space<hbm>>) dst(%arg5 : memref<4x128xi32, #tpu.memory_space<vmem>>)
      tpu.yield
    }) : () -> ()
    %dma_start3A = arith.constant 0 : i32
    %dma_start3A_5 = arith.constant 0 : i32
    %dma_start3A_6 = arith.constant 0 : i32
    %dma_start3A_7 = tpu.memref_slice %arg6[%dma_start3A_5, %dma_start3A_6] : memref<256x128xf32, #tpu.memory_space<vmem>> -> memref<128x128xf32, #tpu.memory_space<vmem>>
    %dma_start3A_8 = arith.constant 0 : i32
    %dma_start3A_9 = tpu.memref_slice %arg5[%dma_start3A, %dma_start3A_8] : memref<4x128xi32, #tpu.memory_space<vmem>> -> memref<1x128xi32, #tpu.memory_space<vmem>>
    %dma_start3A_10 = tpu.memref_squeeze %dma_start3A_9 : memref<1x128xi32, #tpu.memory_space<vmem>> -> memref<128xi32, #tpu.memory_space<vmem>>
    %dma_start3A_11 = arith.constant 0 : i32
    %dma_start3A_12 = arith.constant 0 : i32
    %dma_start3A_13 = tpu.memref_slice %arg3[%dma_start3A_11, %dma_start3A_12] : memref<50000x128xf32, #tpu.memory_space<hbm>> -> memref<50000x128xf32, #tpu.memory_space<hbm>>
    tpu.enqueue_indirect_dma source(%dma_start3A_13 : memref<50000x128xf32, #tpu.memory_space<hbm>>) target(%dma_start3A_7 : memref<128x128xf32, #tpu.memory_space<vmem>>) offsets(%dma_start3A_10 : memref<128xi32, #tpu.memory_space<vmem>>) semaphore(%arg7 : memref<!tpu.dma_semaphore, #tpu.memory_space<semaphore_mem>>)
    %dma_start3A_14 = arith.constant 1 : i32
    %dma_start3A_15 = arith.constant 128 : i32
    %dma_start3A_16 = arith.constant 0 : i32
    %dma_start3A_17 = tpu.memref_slice %arg6[%dma_start3A_15, %dma_start3A_16] : memref<256x128xf32, #tpu.memory_space<vmem>> -> memref<128x128xf32, #tpu.memory_space<vmem>>
    %dma_start3A_18 = arith.constant 0 : i32
    %dma_start3A_19 = tpu.memref_slice %arg5[%dma_start3A_14, %dma_start3A_18] : memref<4x128xi32, #tpu.memory_space<vmem>> -> memref<1x128xi32, #tpu.memory_space<vmem>>
    %dma_start3A_20 = tpu.memref_squeeze %dma_start3A_19 : memref<1x128xi32, #tpu.memory_space<vmem>> -> memref<128xi32, #tpu.memory_space<vmem>>
    %dma_start3A_21 = arith.constant 0 : i32
    %dma_start3A_22 = arith.constant 0 : i32
    %dma_start3A_23 = tpu.memref_slice %arg3[%dma_start3A_21, %dma_start3A_22] : memref<50000x128xf32, #tpu.memory_space<hbm>> -> memref<50000x128xf32, #tpu.memory_space<hbm>>
    tpu.enqueue_indirect_dma source(%dma_start3A_23 : memref<50000x128xf32, #tpu.memory_space<hbm>>) target(%dma_start3A_17 : memref<128x128xf32, #tpu.memory_space<vmem>>) offsets(%dma_start3A_20 : memref<128xi32, #tpu.memory_space<vmem>>) semaphore(%arg7 : memref<!tpu.dma_semaphore, #tpu.memory_space<semaphore_mem>>)
    %dma_wait3A = arith.constant 0 : i32
    %dma_wait3A_24 = arith.constant 0 : i32
    %dma_wait3A_25 = arith.constant 0 : i32
    %dma_wait3A_26 = tpu.memref_slice %arg6[%dma_wait3A_24, %dma_wait3A_25] : memref<256x128xf32, #tpu.memory_space<vmem>> -> memref<128x128xf32, #tpu.memory_space<vmem>>
    %dma_wait3A_27 = arith.constant 0 : i32
    %dma_wait3A_28 = tpu.memref_slice %arg5[%dma_wait3A, %dma_wait3A_27] : memref<4x128xi32, #tpu.memory_space<vmem>> -> memref<1x128xi32, #tpu.memory_space<vmem>>
    %dma_wait3A_29 = tpu.memref_squeeze %dma_wait3A_28 : memref<1x128xi32, #tpu.memory_space<vmem>> -> memref<128xi32, #tpu.memory_space<vmem>>
    %dma_wait3A_30 = arith.constant 0 : i32
    %dma_wait3A_31 = arith.constant 0 : i32
    %dma_wait3A_32 = tpu.memref_slice %arg3[%dma_wait3A_30, %dma_wait3A_31] : memref<50000x128xf32, #tpu.memory_space<hbm>> -> memref<50000x128xf32, #tpu.memory_space<hbm>>
    tpu.wait_indirect_dma semaphore(%arg7 : memref<!tpu.dma_semaphore, #tpu.memory_space<semaphore_mem>>) src(%dma_wait3A_32 : memref<50000x128xf32, #tpu.memory_space<hbm>>) dst(%dma_wait3A_26 : memref<128x128xf32, #tpu.memory_space<vmem>>)
    %dma_wait3A_33 = arith.constant 1 : i32
    %dma_wait3A_34 = arith.constant 128 : i32
    %dma_wait3A_35 = arith.constant 0 : i32
    %dma_wait3A_36 = tpu.memref_slice %arg6[%dma_wait3A_34, %dma_wait3A_35] : memref<256x128xf32, #tpu.memory_space<vmem>> -> memref<128x128xf32, #tpu.memory_space<vmem>>
    %dma_wait3A_37 = arith.constant 0 : i32
    %dma_wait3A_38 = tpu.memref_slice %arg5[%dma_wait3A_33, %dma_wait3A_37] : memref<4x128xi32, #tpu.memory_space<vmem>> -> memref<1x128xi32, #tpu.memory_space<vmem>>
    %dma_wait3A_39 = tpu.memref_squeeze %dma_wait3A_38 : memref<1x128xi32, #tpu.memory_space<vmem>> -> memref<128xi32, #tpu.memory_space<vmem>>
    %dma_wait3A_40 = arith.constant 0 : i32
    %dma_wait3A_41 = arith.constant 0 : i32
    %dma_wait3A_42 = tpu.memref_slice %arg3[%dma_wait3A_40, %dma_wait3A_41] : memref<50000x128xf32, #tpu.memory_space<hbm>> -> memref<50000x128xf32, #tpu.memory_space<hbm>>
    tpu.wait_indirect_dma semaphore(%arg7 : memref<!tpu.dma_semaphore, #tpu.memory_space<semaphore_mem>>) src(%dma_wait3A_42 : memref<50000x128xf32, #tpu.memory_space<hbm>>) dst(%dma_wait3A_36 : memref<128x128xf32, #tpu.memory_space<vmem>>)
    %add3A_43 = arith.constant 0 : i32
    %add3A_44 = arith.addi %mul3A_2, %add3A_43 : i32
    "tpu.region"() ({
      %run_scoped3A = tpu.sem_alloc : memref<!tpu.dma_semaphore, #tpu.memory_space<semaphore_mem>>
      %dma_start3A_87 = arith.constant 0 : i32
      %dma_start3A_88 = tpu.memref_slice %arg4[%add3A_44, %dma_start3A_87] : memref<16384x128xf32, #tpu.memory_space<hbm>> -> memref<256x128xf32, #tpu.memory_space<hbm>>
      %dma_start3A_89 = arith.constant 0 : i32
      %dma_start3A_90 = tpu.memref_slice %arg4[%add3A_44, %dma_start3A_89] : memref<16384x128xf32, #tpu.memory_space<hbm>> -> memref<256x128xf32, #tpu.memory_space<hbm>>
      tpu.enqueue_dma source(%arg6 : memref<256x128xf32, #tpu.memory_space<vmem>>) target(%dma_start3A_90 : memref<256x128xf32, #tpu.memory_space<hbm>>) target_semaphore(%run_scoped3A : memref<!tpu.dma_semaphore, #tpu.memory_space<semaphore_mem>>)
      %dma_wait3A_91 = arith.constant 0 : i32
      %dma_wait3A_92 = tpu.memref_slice %arg4[%add3A_44, %dma_wait3A_91] : memref<16384x128xf32, #tpu.memory_space<hbm>> -> memref<256x128xf32, #tpu.memory_space<hbm>>
      %dma_wait3A_93 = arith.constant 0 : i32
      %dma_wait3A_94 = tpu.memref_slice %arg4[%add3A_44, %dma_wait3A_93] : memref<16384x128xf32, #tpu.memory_space<hbm>> -> memref<256x128xf32, #tpu.memory_space<hbm>>
      tpu.wait_dma2 semaphore(%run_scoped3A : memref<!tpu.dma_semaphore, #tpu.memory_space<semaphore_mem>>) src(%arg6 : memref<256x128xf32, #tpu.memory_space<vmem>>) dst(%dma_wait3A_94 : memref<256x128xf32, #tpu.memory_space<hbm>>)
      tpu.yield
    }) : () -> ()
    %dma_start3A_45 = arith.constant 2 : i32
    %dma_start3A_46 = arith.constant 0 : i32
    %dma_start3A_47 = arith.constant 0 : i32
    %dma_start3A_48 = tpu.memref_slice %arg6[%dma_start3A_46, %dma_start3A_47] : memref<256x128xf32, #tpu.memory_space<vmem>> -> memref<128x128xf32, #tpu.memory_space<vmem>>
    %dma_start3A_49 = arith.constant 0 : i32
    %dma_start3A_50 = tpu.memref_slice %arg5[%dma_start3A_45, %dma_start3A_49] : memref<4x128xi32, #tpu.memory_space<vmem>> -> memref<1x128xi32, #tpu.memory_space<vmem>>
    %dma_start3A_51 = tpu.memref_squeeze %dma_start3A_50 : memref<1x128xi32, #tpu.memory_space<vmem>> -> memref<128xi32, #tpu.memory_space<vmem>>
    %dma_start3A_52 = arith.constant 0 : i32
    %dma_start3A_53 = arith.constant 0 : i32
    %dma_start3A_54 = tpu.memref_slice %arg3[%dma_start3A_52, %dma_start3A_53] : memref<50000x128xf32, #tpu.memory_space<hbm>> -> memref<50000x128xf32, #tpu.memory_space<hbm>>
    tpu.enqueue_indirect_dma source(%dma_start3A_54 : memref<50000x128xf32, #tpu.memory_space<hbm>>) target(%dma_start3A_48 : memref<128x128xf32, #tpu.memory_space<vmem>>) offsets(%dma_start3A_51 : memref<128xi32, #tpu.memory_space<vmem>>) semaphore(%arg7 : memref<!tpu.dma_semaphore, #tpu.memory_space<semaphore_mem>>)
    %dma_start3A_55 = arith.constant 3 : i32
    %dma_start3A_56 = arith.constant 128 : i32
    %dma_start3A_57 = arith.constant 0 : i32
    %dma_start3A_58 = tpu.memref_slice %arg6[%dma_start3A_56, %dma_start3A_57] : memref<256x128xf32, #tpu.memory_space<vmem>> -> memref<128x128xf32, #tpu.memory_space<vmem>>
    %dma_start3A_59 = arith.constant 0 : i32
    %dma_start3A_60 = tpu.memref_slice %arg5[%dma_start3A_55, %dma_start3A_59] : memref<4x128xi32, #tpu.memory_space<vmem>> -> memref<1x128xi32, #tpu.memory_space<vmem>>
    %dma_start3A_61 = tpu.memref_squeeze %dma_start3A_60 : memref<1x128xi32, #tpu.memory_space<vmem>> -> memref<128xi32, #tpu.memory_space<vmem>>
    %dma_start3A_62 = arith.constant 0 : i32
    %dma_start3A_63 = arith.constant 0 : i32
    %dma_start3A_64 = tpu.memref_slice %arg3[%dma_start3A_62, %dma_start3A_63] : memref<50000x128xf32, #tpu.memory_space<hbm>> -> memref<50000x128xf32, #tpu.memory_space<hbm>>
    tpu.enqueue_indirect_dma source(%dma_start3A_64 : memref<50000x128xf32, #tpu.memory_space<hbm>>) target(%dma_start3A_58 : memref<128x128xf32, #tpu.memory_space<vmem>>) offsets(%dma_start3A_61 : memref<128xi32, #tpu.memory_space<vmem>>) semaphore(%arg7 : memref<!tpu.dma_semaphore, #tpu.memory_space<semaphore_mem>>)
    %dma_wait3A_65 = arith.constant 2 : i32
    %dma_wait3A_66 = arith.constant 0 : i32
    %dma_wait3A_67 = arith.constant 0 : i32
    %dma_wait3A_68 = tpu.memref_slice %arg6[%dma_wait3A_66, %dma_wait3A_67] : memref<256x128xf32, #tpu.memory_space<vmem>> -> memref<128x128xf32, #tpu.memory_space<vmem>>
    %dma_wait3A_69 = arith.constant 0 : i32
    %dma_wait3A_70 = tpu.memref_slice %arg5[%dma_wait3A_65, %dma_wait3A_69] : memref<4x128xi32, #tpu.memory_space<vmem>> -> memref<1x128xi32, #tpu.memory_space<vmem>>
    %dma_wait3A_71 = tpu.memref_squeeze %dma_wait3A_70 : memref<1x128xi32, #tpu.memory_space<vmem>> -> memref<128xi32, #tpu.memory_space<vmem>>
    %dma_wait3A_72 = arith.constant 0 : i32
    %dma_wait3A_73 = arith.constant 0 : i32
    %dma_wait3A_74 = tpu.memref_slice %arg3[%dma_wait3A_72, %dma_wait3A_73] : memref<50000x128xf32, #tpu.memory_space<hbm>> -> memref<50000x128xf32, #tpu.memory_space<hbm>>
    tpu.wait_indirect_dma semaphore(%arg7 : memref<!tpu.dma_semaphore, #tpu.memory_space<semaphore_mem>>) src(%dma_wait3A_74 : memref<50000x128xf32, #tpu.memory_space<hbm>>) dst(%dma_wait3A_68 : memref<128x128xf32, #tpu.memory_space<vmem>>)
    %dma_wait3A_75 = arith.constant 3 : i32
    %dma_wait3A_76 = arith.constant 128 : i32
    %dma_wait3A_77 = arith.constant 0 : i32
    %dma_wait3A_78 = tpu.memref_slice %arg6[%dma_wait3A_76, %dma_wait3A_77] : memref<256x128xf32, #tpu.memory_space<vmem>> -> memref<128x128xf32, #tpu.memory_space<vmem>>
    %dma_wait3A_79 = arith.constant 0 : i32
    %dma_wait3A_80 = tpu.memref_slice %arg5[%dma_wait3A_75, %dma_wait3A_79] : memref<4x128xi32, #tpu.memory_space<vmem>> -> memref<1x128xi32, #tpu.memory_space<vmem>>
    %dma_wait3A_81 = tpu.memref_squeeze %dma_wait3A_80 : memref<1x128xi32, #tpu.memory_space<vmem>> -> memref<128xi32, #tpu.memory_space<vmem>>
    %dma_wait3A_82 = arith.constant 0 : i32
    %dma_wait3A_83 = arith.constant 0 : i32
    %dma_wait3A_84 = tpu.memref_slice %arg3[%dma_wait3A_82, %dma_wait3A_83] : memref<50000x128xf32, #tpu.memory_space<hbm>> -> memref<50000x128xf32, #tpu.memory_space<hbm>>
    tpu.wait_indirect_dma semaphore(%arg7 : memref<!tpu.dma_semaphore, #tpu.memory_space<semaphore_mem>>) src(%dma_wait3A_84 : memref<50000x128xf32, #tpu.memory_space<hbm>>) dst(%dma_wait3A_78 : memref<128x128xf32, #tpu.memory_space<vmem>>)
    %add3A_85 = arith.constant 256 : i32
    %add3A_86 = arith.addi %mul3A_2, %add3A_85 : i32
    "tpu.region"() ({
      %run_scoped3A = tpu.sem_alloc : memref<!tpu.dma_semaphore, #tpu.memory_space<semaphore_mem>>
      %dma_start3A_87 = arith.constant 0 : i32
      %dma_start3A_88 = tpu.memref_slice %arg4[%add3A_86, %dma_start3A_87] : memref<16384x128xf32, #tpu.memory_space<hbm>> -> memref<256x128xf32, #tpu.memory_space<hbm>>
      %dma_start3A_89 = arith.constant 0 : i32
      %dma_start3A_90 = tpu.memref_slice %arg4[%add3A_86, %dma_start3A_89] : memref<16384x128xf32, #tpu.memory_space<hbm>> -> memref<256x128xf32, #tpu.memory_space<hbm>>
      tpu.enqueue_dma source(%arg6 : memref<256x128xf32, #tpu.memory_space<vmem>>) target(%dma_start3A_90 : memref<256x128xf32, #tpu.memory_space<hbm>>) target_semaphore(%run_scoped3A : memref<!tpu.dma_semaphore, #tpu.memory_space<semaphore_mem>>)
      %dma_wait3A_91 = arith.constant 0 : i32
      %dma_wait3A_92 = tpu.memref_slice %arg4[%add3A_86, %dma_wait3A_91] : memref<16384x128xf32, #tpu.memory_space<hbm>> -> memref<256x128xf32, #tpu.memory_space<hbm>>
      %dma_wait3A_93 = arith.constant 0 : i32
      %dma_wait3A_94 = tpu.memref_slice %arg4[%add3A_86, %dma_wait3A_93] : memref<16384x128xf32, #tpu.memory_space<hbm>> -> memref<256x128xf32, #tpu.memory_space<hbm>>
      tpu.wait_dma2 semaphore(%run_scoped3A : memref<!tpu.dma_semaphore, #tpu.memory_space<semaphore_mem>>) src(%arg6 : memref<256x128xf32, #tpu.memory_space<vmem>>) dst(%dma_wait3A_94 : memref<256x128xf32, #tpu.memory_space<hbm>>)
      tpu.yield
    }) : () -> ()
    return
  }
}

#map = affine_map<(d0, d1) -> (0, 0)>
module attributes {stable_mosaic.version = 14 : i64} {
  func.func @_gather_body(%arg0: i32, %arg1: i32, %arg2: memref<128x128xi32, #tpu.memory_space<hbm>>, %arg3: memref<50000x128xf32, #tpu.memory_space<hbm>>, %arg4: memref<16384x128xf32, #tpu.memory_space<hbm>>, %arg5: memref<4x128xi32, #tpu.memory_space<vmem>>, %arg6: memref<256x128xf32, #tpu.memory_space<vmem>>, %arg7: memref<!tpu.dma_semaphore, #tpu.memory_space<semaphore_mem>>) attributes {dimension_semantics = [#tpu.dimension_semantics<core_parallel>, #tpu.dimension_semantics<subcore_parallel>], iteration_bounds = array<i64: 2, 16>, scalar_prefetch = 0 : i64, scratch_operands = 3 : i64, tpu.core_type = #tpu.core_type<sc_vector_subcore>, window_params = [{transform_indices = #map}, {transform_indices = #map}, {transform_indices = #map}]} {
    %mul3A = arith.constant 2 : i32
    %mul3A_0 = arith.muli %arg1, %mul3A : i32
    %add3A = arith.addi %mul3A_0, %arg0 : i32
    %mul3A_1 = arith.constant 512 : i32
    %mul3A_2 = arith.muli %add3A, %mul3A_1 : i32
    %mul3A_3 = arith.constant 4 : i32
    %mul3A_4 = arith.muli %add3A, %mul3A_3 : i32
    "tpu.region"() ({
      %run_scoped3A = tpu.sem_alloc : memref<!tpu.dma_semaphore, #tpu.memory_space<semaphore_mem>>
      %dma_start3A_87 = arith.constant 0 : i32
      %dma_start3A_88 = tpu.memref_slice %arg2[%mul3A_4, %dma_start3A_87] : memref<128x128xi32, #tpu.memory_space<hbm>> -> memref<4x128xi32, #tpu.memory_space<hbm>>
      %dma_start3A_89 = arith.constant 0 : i32
      %dma_start3A_90 = tpu.memref_slice %arg2[%mul3A_4, %dma_start3A_89] : memref<128x128xi32, #tpu.memory_space<hbm>> -> memref<4x128xi32, #tpu.memory_space<hbm>>
      tpu.enqueue_dma source(%dma_start3A_90 : memref<4x128xi32, #tpu.memory_space<hbm>>) target(%arg5 : memref<4x128xi32, #tpu.memory_space<vmem>>) target_semaphore(%run_scoped3A : memref<!tpu.dma_semaphore, #tpu.memory_space<semaphore_mem>>)
      %dma_wait3A_91 = arith.constant 0 : i32
      %dma_wait3A_92 = tpu.memref_slice %arg2[%mul3A_4, %dma_wait3A_91] : memref<128x128xi32, #tpu.memory_space<hbm>> -> memref<4x128xi32, #tpu.memory_space<hbm>>
      %dma_wait3A_93 = arith.constant 0 : i32
      %dma_wait3A_94 = tpu.memref_slice %arg2[%mul3A_4, %dma_wait3A_93] : memref<128x128xi32, #tpu.memory_space<hbm>> -> memref<4x128xi32, #tpu.memory_space<hbm>>
      tpu.wait_dma2 semaphore(%run_scoped3A : memref<!tpu.dma_semaphore, #tpu.memory_space<semaphore_mem>>) src(%dma_wait3A_94 : memref<4x128xi32, #tpu.memory_space<hbm>>) dst(%arg5 : memref<4x128xi32, #tpu.memory_space<vmem>>)
      tpu.yield
    }) : () -> ()
    %dma_start3A = arith.constant 0 : i32
    %dma_start3A_5 = arith.constant 0 : i32
    %dma_start3A_6 = arith.constant 0 : i32
    %dma_start3A_7 = tpu.memref_slice %arg6[%dma_start3A_5, %dma_start3A_6] : memref<256x128xf32, #tpu.memory_space<vmem>> -> memref<128x128xf32, #tpu.memory_space<vmem>>
    %dma_start3A_8 = arith.constant 0 : i32
    %dma_start3A_9 = tpu.memref_slice %arg5[%dma_start3A, %dma_start3A_8] : memref<4x128xi32, #tpu.memory_space<vmem>> -> memref<1x128xi32, #tpu.memory_space<vmem>>
    %dma_start3A_10 = tpu.memref_squeeze %dma_start3A_9 : memref<1x128xi32, #tpu.memory_space<vmem>> -> memref<128xi32, #tpu.memory_space<vmem>>
    %dma_start3A_11 = arith.constant 0 : i32
    %dma_start3A_12 = arith.constant 0 : i32
    %dma_start3A_13 = tpu.memref_slice %arg3[%dma_start3A_11, %dma_start3A_12] : memref<50000x128xf32, #tpu.memory_space<hbm>> -> memref<50000x128xf32, #tpu.memory_space<hbm>>
    tpu.enqueue_indirect_dma source(%dma_start3A_13 : memref<50000x128xf32, #tpu.memory_space<hbm>>) target(%dma_start3A_7 : memref<128x128xf32, #tpu.memory_space<vmem>>) offsets(%dma_start3A_10 : memref<128xi32, #tpu.memory_space<vmem>>) semaphore(%arg7 : memref<!tpu.dma_semaphore, #tpu.memory_space<semaphore_mem>>)
    %dma_start3A_14 = arith.constant 1 : i32
    %dma_start3A_15 = arith.constant 128 : i32
    %dma_start3A_16 = arith.constant 0 : i32
    %dma_start3A_17 = tpu.memref_slice %arg6[%dma_start3A_15, %dma_start3A_16] : memref<256x128xf32, #tpu.memory_space<vmem>> -> memref<128x128xf32, #tpu.memory_space<vmem>>
    %dma_start3A_18 = arith.constant 0 : i32
    %dma_start3A_19 = tpu.memref_slice %arg5[%dma_start3A_14, %dma_start3A_18] : memref<4x128xi32, #tpu.memory_space<vmem>> -> memref<1x128xi32, #tpu.memory_space<vmem>>
    %dma_start3A_20 = tpu.memref_squeeze %dma_start3A_19 : memref<1x128xi32, #tpu.memory_space<vmem>> -> memref<128xi32, #tpu.memory_space<vmem>>
    %dma_start3A_21 = arith.constant 0 : i32
    %dma_start3A_22 = arith.constant 0 : i32
    %dma_start3A_23 = tpu.memref_slice %arg3[%dma_start3A_21, %dma_start3A_22] : memref<50000x128xf32, #tpu.memory_space<hbm>> -> memref<50000x128xf32, #tpu.memory_space<hbm>>
    tpu.enqueue_indirect_dma source(%dma_start3A_23 : memref<50000x128xf32, #tpu.memory_space<hbm>>) target(%dma_start3A_17 : memref<128x128xf32, #tpu.memory_space<vmem>>) offsets(%dma_start3A_20 : memref<128xi32, #tpu.memory_space<vmem>>) semaphore(%arg7 : memref<!tpu.dma_semaphore, #tpu.memory_space<semaphore_mem>>)
    %dma_wait3A = arith.constant 0 : i32
    %dma_wait3A_24 = arith.constant 0 : i32
    %dma_wait3A_25 = arith.constant 0 : i32
    %dma_wait3A_26 = tpu.memref_slice %arg6[%dma_wait3A_24, %dma_wait3A_25] : memref<256x128xf32, #tpu.memory_space<vmem>> -> memref<128x128xf32, #tpu.memory_space<vmem>>
    %dma_wait3A_27 = arith.constant 0 : i32
    %dma_wait3A_28 = tpu.memref_slice %arg5[%dma_wait3A, %dma_wait3A_27] : memref<4x128xi32, #tpu.memory_space<vmem>> -> memref<1x128xi32, #tpu.memory_space<vmem>>
    %dma_wait3A_29 = tpu.memref_squeeze %dma_wait3A_28 : memref<1x128xi32, #tpu.memory_space<vmem>> -> memref<128xi32, #tpu.memory_space<vmem>>
    %dma_wait3A_30 = arith.constant 0 : i32
    %dma_wait3A_31 = arith.constant 0 : i32
    %dma_wait3A_32 = tpu.memref_slice %arg3[%dma_wait3A_30, %dma_wait3A_31] : memref<50000x128xf32, #tpu.memory_space<hbm>> -> memref<50000x128xf32, #tpu.memory_space<hbm>>
    tpu.wait_indirect_dma semaphore(%arg7 : memref<!tpu.dma_semaphore, #tpu.memory_space<semaphore_mem>>) src(%dma_wait3A_32 : memref<50000x128xf32, #tpu.memory_space<hbm>>) dst(%dma_wait3A_26 : memref<128x128xf32, #tpu.memory_space<vmem>>)
    %dma_wait3A_33 = arith.constant 1 : i32
    %dma_wait3A_34 = arith.constant 128 : i32
    %dma_wait3A_35 = arith.constant 0 : i32
    %dma_wait3A_36 = tpu.memref_slice %arg6[%dma_wait3A_34, %dma_wait3A_35] : memref<256x128xf32, #tpu.memory_space<vmem>> -> memref<128x128xf32, #tpu.memory_space<vmem>>
    %dma_wait3A_37 = arith.constant 0 : i32
    %dma_wait3A_38 = tpu.memref_slice %arg5[%dma_wait3A_33, %dma_wait3A_37] : memref<4x128xi32, #tpu.memory_space<vmem>> -> memref<1x128xi32, #tpu.memory_space<vmem>>
    %dma_wait3A_39 = tpu.memref_squeeze %dma_wait3A_38 : memref<1x128xi32, #tpu.memory_space<vmem>> -> memref<128xi32, #tpu.memory_space<vmem>>
    %dma_wait3A_40 = arith.constant 0 : i32
    %dma_wait3A_41 = arith.constant 0 : i32
    %dma_wait3A_42 = tpu.memref_slice %arg3[%dma_wait3A_40, %dma_wait3A_41] : memref<50000x128xf32, #tpu.memory_space<hbm>> -> memref<50000x128xf32, #tpu.memory_space<hbm>>
    tpu.wait_indirect_dma semaphore(%arg7 : memref<!tpu.dma_semaphore, #tpu.memory_space<semaphore_mem>>) src(%dma_wait3A_42 : memref<50000x128xf32, #tpu.memory_space<hbm>>) dst(%dma_wait3A_36 : memref<128x128xf32, #tpu.memory_space<vmem>>)
    %add3A_43 = arith.constant 0 : i32
    %add3A_44 = arith.addi %mul3A_2, %add3A_43 : i32
    "tpu.region"() ({
      %run_scoped3A = tpu.sem_alloc : memref<!tpu.dma_semaphore, #tpu.memory_space<semaphore_mem>>
      %dma_start3A_87 = arith.constant 0 : i32
      %dma_start3A_88 = tpu.memref_slice %arg4[%add3A_44, %dma_start3A_87] : memref<16384x128xf32, #tpu.memory_space<hbm>> -> memref<256x128xf32, #tpu.memory_space<hbm>>
      %dma_start3A_89 = arith.constant 0 : i32
      %dma_start3A_90 = tpu.memref_slice %arg4[%add3A_44, %dma_start3A_89] : memref<16384x128xf32, #tpu.memory_space<hbm>> -> memref<256x128xf32, #tpu.memory_space<hbm>>
      tpu.enqueue_dma source(%arg6 : memref<256x128xf32, #tpu.memory_space<vmem>>) target(%dma_start3A_90 : memref<256x128xf32, #tpu.memory_space<hbm>>) target_semaphore(%run_scoped3A : memref<!tpu.dma_semaphore, #tpu.memory_space<semaphore_mem>>)
      %dma_wait3A_91 = arith.constant 0 : i32
      %dma_wait3A_92 = tpu.memref_slice %arg4[%add3A_44, %dma_wait3A_91] : memref<16384x128xf32, #tpu.memory_space<hbm>> -> memref<256x128xf32, #tpu.memory_space<hbm>>
      %dma_wait3A_93 = arith.constant 0 : i32
      %dma_wait3A_94 = tpu.memref_slice %arg4[%add3A_44, %dma_wait3A_93] : memref<16384x128xf32, #tpu.memory_space<hbm>> -> memref<256x128xf32, #tpu.memory_space<hbm>>
      tpu.wait_dma2 semaphore(%run_scoped3A : memref<!tpu.dma_semaphore, #tpu.memory_space<semaphore_mem>>) src(%arg6 : memref<256x128xf32, #tpu.memory_space<vmem>>) dst(%dma_wait3A_94 : memref<256x128xf32, #tpu.memory_space<hbm>>)
      tpu.yield
    }) : () -> ()
    %dma_start3A_45 = arith.constant 2 : i32
    %dma_start3A_46 = arith.constant 0 : i32
    %dma_start3A_47 = arith.constant 0 : i32
    %dma_start3A_48 = tpu.memref_slice %arg6[%dma_start3A_46, %dma_start3A_47] : memref<256x128xf32, #tpu.memory_space<vmem>> -> memref<128x128xf32, #tpu.memory_space<vmem>>
    %dma_start3A_49 = arith.constant 0 : i32
    %dma_start3A_50 = tpu.memref_slice %arg5[%dma_start3A_45, %dma_start3A_49] : memref<4x128xi32, #tpu.memory_space<vmem>> -> memref<1x128xi32, #tpu.memory_space<vmem>>
    %dma_start3A_51 = tpu.memref_squeeze %dma_start3A_50 : memref<1x128xi32, #tpu.memory_space<vmem>> -> memref<128xi32, #tpu.memory_space<vmem>>
    %dma_start3A_52 = arith.constant 0 : i32
    %dma_start3A_53 = arith.constant 0 : i32
    %dma_start3A_54 = tpu.memref_slice %arg3[%dma_start3A_52, %dma_start3A_53] : memref<50000x128xf32, #tpu.memory_space<hbm>> -> memref<50000x128xf32, #tpu.memory_space<hbm>>
    tpu.enqueue_indirect_dma source(%dma_start3A_54 : memref<50000x128xf32, #tpu.memory_space<hbm>>) target(%dma_start3A_48 : memref<128x128xf32, #tpu.memory_space<vmem>>) offsets(%dma_start3A_51 : memref<128xi32, #tpu.memory_space<vmem>>) semaphore(%arg7 : memref<!tpu.dma_semaphore, #tpu.memory_space<semaphore_mem>>)
    %dma_start3A_55 = arith.constant 3 : i32
    %dma_start3A_56 = arith.constant 128 : i32
    %dma_start3A_57 = arith.constant 0 : i32
    %dma_start3A_58 = tpu.memref_slice %arg6[%dma_start3A_56, %dma_start3A_57] : memref<256x128xf32, #tpu.memory_space<vmem>> -> memref<128x128xf32, #tpu.memory_space<vmem>>
    %dma_start3A_59 = arith.constant 0 : i32
    %dma_start3A_60 = tpu.memref_slice %arg5[%dma_start3A_55, %dma_start3A_59] : memref<4x128xi32, #tpu.memory_space<vmem>> -> memref<1x128xi32, #tpu.memory_space<vmem>>
    %dma_start3A_61 = tpu.memref_squeeze %dma_start3A_60 : memref<1x128xi32, #tpu.memory_space<vmem>> -> memref<128xi32, #tpu.memory_space<vmem>>
    %dma_start3A_62 = arith.constant 0 : i32
    %dma_start3A_63 = arith.constant 0 : i32
    %dma_start3A_64 = tpu.memref_slice %arg3[%dma_start3A_62, %dma_start3A_63] : memref<50000x128xf32, #tpu.memory_space<hbm>> -> memref<50000x128xf32, #tpu.memory_space<hbm>>
    tpu.enqueue_indirect_dma source(%dma_start3A_64 : memref<50000x128xf32, #tpu.memory_space<hbm>>) target(%dma_start3A_58 : memref<128x128xf32, #tpu.memory_space<vmem>>) offsets(%dma_start3A_61 : memref<128xi32, #tpu.memory_space<vmem>>) semaphore(%arg7 : memref<!tpu.dma_semaphore, #tpu.memory_space<semaphore_mem>>)
    %dma_wait3A_65 = arith.constant 2 : i32
    %dma_wait3A_66 = arith.constant 0 : i32
    %dma_wait3A_67 = arith.constant 0 : i32
    %dma_wait3A_68 = tpu.memref_slice %arg6[%dma_wait3A_66, %dma_wait3A_67] : memref<256x128xf32, #tpu.memory_space<vmem>> -> memref<128x128xf32, #tpu.memory_space<vmem>>
    %dma_wait3A_69 = arith.constant 0 : i32
    %dma_wait3A_70 = tpu.memref_slice %arg5[%dma_wait3A_65, %dma_wait3A_69] : memref<4x128xi32, #tpu.memory_space<vmem>> -> memref<1x128xi32, #tpu.memory_space<vmem>>
    %dma_wait3A_71 = tpu.memref_squeeze %dma_wait3A_70 : memref<1x128xi32, #tpu.memory_space<vmem>> -> memref<128xi32, #tpu.memory_space<vmem>>
    %dma_wait3A_72 = arith.constant 0 : i32
    %dma_wait3A_73 = arith.constant 0 : i32
    %dma_wait3A_74 = tpu.memref_slice %arg3[%dma_wait3A_72, %dma_wait3A_73] : memref<50000x128xf32, #tpu.memory_space<hbm>> -> memref<50000x128xf32, #tpu.memory_space<hbm>>
    tpu.wait_indirect_dma semaphore(%arg7 : memref<!tpu.dma_semaphore, #tpu.memory_space<semaphore_mem>>) src(%dma_wait3A_74 : memref<50000x128xf32, #tpu.memory_space<hbm>>) dst(%dma_wait3A_68 : memref<128x128xf32, #tpu.memory_space<vmem>>)
    %dma_wait3A_75 = arith.constant 3 : i32
    %dma_wait3A_76 = arith.constant 128 : i32
    %dma_wait3A_77 = arith.constant 0 : i32
    %dma_wait3A_78 = tpu.memref_slice %arg6[%dma_wait3A_76, %dma_wait3A_77] : memref<256x128xf32, #tpu.memory_space<vmem>> -> memref<128x128xf32, #tpu.memory_space<vmem>>
    %dma_wait3A_79 = arith.constant 0 : i32
    %dma_wait3A_80 = tpu.memref_slice %arg5[%dma_wait3A_75, %dma_wait3A_79] : memref<4x128xi32, #tpu.memory_space<vmem>> -> memref<1x128xi32, #tpu.memory_space<vmem>>
    %dma_wait3A_81 = tpu.memref_squeeze %dma_wait3A_80 : memref<1x128xi32, #tpu.memory_space<vmem>> -> memref<128xi32, #tpu.memory_space<vmem>>
    %dma_wait3A_82 = arith.constant 0 : i32
    %dma_wait3A_83 = arith.constant 0 : i32
    %dma_wait3A_84 = tpu.memref_slice %arg3[%dma_wait3A_82, %dma_wait3A_83] : memref<50000x128xf32, #tpu.memory_space<hbm>> -> memref<50000x128xf32, #tpu.memory_space<hbm>>
    tpu.wait_indirect_dma semaphore(%arg7 : memref<!tpu.dma_semaphore, #tpu.memory_space<semaphore_mem>>) src(%dma_wait3A_84 : memref<50000x128xf32, #tpu.memory_space<hbm>>) dst(%dma_wait3A_78 : memref<128x128xf32, #tpu.memory_space<vmem>>)
    %add3A_85 = arith.constant 256 : i32
    %add3A_86 = arith.addi %mul3A_2, %add3A_85 : i32
    "tpu.region"() ({
      %run_scoped3A = tpu.sem_alloc : memref<!tpu.dma_semaphore, #tpu.memory_space<semaphore_mem>>
      %dma_start3A_87 = arith.constant 0 : i32
      %dma_start3A_88 = tpu.memref_slice %arg4[%add3A_86, %dma_start3A_87] : memref<16384x128xf32, #tpu.memory_space<hbm>> -> memref<256x128xf32, #tpu.memory_space<hbm>>
      %dma_start3A_89 = arith.constant 0 : i32
      %dma_start3A_90 = tpu.memref_slice %arg4[%add3A_86, %dma_start3A_89] : memref<16384x128xf32, #tpu.memory_space<hbm>> -> memref<256x128xf32, #tpu.memory_space<hbm>>
      tpu.enqueue_dma source(%arg6 : memref<256x128xf32, #tpu.memory_space<vmem>>) target(%dma_start3A_90 : memref<256x128xf32, #tpu.memory_space<hbm>>) target_semaphore(%run_scoped3A : memref<!tpu.dma_semaphore, #tpu.memory_space<semaphore_mem>>)
      %dma_wait3A_91 = arith.constant 0 : i32
      %dma_wait3A_92 = tpu.memref_slice %arg4[%add3A_86, %dma_wait3A_91] : memref<16384x128xf32, #tpu.memory_space<hbm>> -> memref<256x128xf32, #tpu.memory_space<hbm>>
      %dma_wait3A_93 = arith.constant 0 : i32
      %dma_wait3A_94 = tpu.memref_slice %arg4[%add3A_86, %dma_wait3A_93] : memref<16384x128xf32, #tpu.memory_space<hbm>> -> memref<256x128xf32, #tpu.memory_space<hbm>>
      tpu.wait_dma2 semaphore(%run_scoped3A : memref<!tpu.dma_semaphore, #tpu.memory_space<semaphore_mem>>) src(%arg6 : memref<256x128xf32, #tpu.memory_space<vmem>>) dst(%dma_wait3A_94 : memref<256x128xf32, #tpu.memory_space<hbm>>)
      tpu.yield
    }) : () -> ()
    return
  }
}

#map = affine_map<(d0, d1) -> (0, 0)>
module attributes {stable_mosaic.version = 14 : i64} {
  func.func @_gather_body(%arg0: i32, %arg1: i32, %arg2: memref<128x128xi32, #tpu.memory_space<hbm>>, %arg3: memref<50000x128xf32, #tpu.memory_space<hbm>>, %arg4: memref<16384x128xf32, #tpu.memory_space<hbm>>, %arg5: memref<4x128xi32, #tpu.memory_space<vmem>>, %arg6: memref<256x128xf32, #tpu.memory_space<vmem>>, %arg7: memref<!tpu.dma_semaphore, #tpu.memory_space<semaphore_mem>>) attributes {dimension_semantics = [#tpu.dimension_semantics<core_parallel>, #tpu.dimension_semantics<subcore_parallel>], iteration_bounds = array<i64: 2, 16>, scalar_prefetch = 0 : i64, scratch_operands = 3 : i64, tpu.core_type = #tpu.core_type<sc_vector_subcore>, window_params = [{transform_indices = #map}, {transform_indices = #map}, {transform_indices = #map}]} {
    %mul3A = arith.constant 2 : i32
    %mul3A_0 = arith.muli %arg1, %mul3A : i32
    %add3A = arith.addi %mul3A_0, %arg0 : i32
    %mul3A_1 = arith.constant 512 : i32
    %mul3A_2 = arith.muli %add3A, %mul3A_1 : i32
    %mul3A_3 = arith.constant 4 : i32
    %mul3A_4 = arith.muli %add3A, %mul3A_3 : i32
    "tpu.region"() ({
      %run_scoped3A = tpu.sem_alloc : memref<!tpu.dma_semaphore, #tpu.memory_space<semaphore_mem>>
      %dma_start3A_87 = arith.constant 0 : i32
      %dma_start3A_88 = tpu.memref_slice %arg2[%mul3A_4, %dma_start3A_87] : memref<128x128xi32, #tpu.memory_space<hbm>> -> memref<4x128xi32, #tpu.memory_space<hbm>>
      %dma_start3A_89 = arith.constant 0 : i32
      %dma_start3A_90 = tpu.memref_slice %arg2[%mul3A_4, %dma_start3A_89] : memref<128x128xi32, #tpu.memory_space<hbm>> -> memref<4x128xi32, #tpu.memory_space<hbm>>
      tpu.enqueue_dma source(%dma_start3A_90 : memref<4x128xi32, #tpu.memory_space<hbm>>) target(%arg5 : memref<4x128xi32, #tpu.memory_space<vmem>>) target_semaphore(%run_scoped3A : memref<!tpu.dma_semaphore, #tpu.memory_space<semaphore_mem>>)
      %dma_wait3A_91 = arith.constant 0 : i32
      %dma_wait3A_92 = tpu.memref_slice %arg2[%mul3A_4, %dma_wait3A_91] : memref<128x128xi32, #tpu.memory_space<hbm>> -> memref<4x128xi32, #tpu.memory_space<hbm>>
      %dma_wait3A_93 = arith.constant 0 : i32
      %dma_wait3A_94 = tpu.memref_slice %arg2[%mul3A_4, %dma_wait3A_93] : memref<128x128xi32, #tpu.memory_space<hbm>> -> memref<4x128xi32, #tpu.memory_space<hbm>>
      tpu.wait_dma2 semaphore(%run_scoped3A : memref<!tpu.dma_semaphore, #tpu.memory_space<semaphore_mem>>) src(%dma_wait3A_94 : memref<4x128xi32, #tpu.memory_space<hbm>>) dst(%arg5 : memref<4x128xi32, #tpu.memory_space<vmem>>)
      tpu.yield
    }) : () -> ()
    %dma_start3A = arith.constant 0 : i32
    %dma_start3A_5 = arith.constant 0 : i32
    %dma_start3A_6 = arith.constant 0 : i32
    %dma_start3A_7 = tpu.memref_slice %arg6[%dma_start3A_5, %dma_start3A_6] : memref<256x128xf32, #tpu.memory_space<vmem>> -> memref<128x128xf32, #tpu.memory_space<vmem>>
    %dma_start3A_8 = arith.constant 0 : i32
    %dma_start3A_9 = tpu.memref_slice %arg5[%dma_start3A, %dma_start3A_8] : memref<4x128xi32, #tpu.memory_space<vmem>> -> memref<1x128xi32, #tpu.memory_space<vmem>>
    %dma_start3A_10 = tpu.memref_squeeze %dma_start3A_9 : memref<1x128xi32, #tpu.memory_space<vmem>> -> memref<128xi32, #tpu.memory_space<vmem>>
    %dma_start3A_11 = arith.constant 0 : i32
    %dma_start3A_12 = arith.constant 0 : i32
    %dma_start3A_13 = tpu.memref_slice %arg3[%dma_start3A_11, %dma_start3A_12] : memref<50000x128xf32, #tpu.memory_space<hbm>> -> memref<50000x128xf32, #tpu.memory_space<hbm>>
    tpu.enqueue_indirect_dma source(%dma_start3A_13 : memref<50000x128xf32, #tpu.memory_space<hbm>>) target(%dma_start3A_7 : memref<128x128xf32, #tpu.memory_space<vmem>>) offsets(%dma_start3A_10 : memref<128xi32, #tpu.memory_space<vmem>>) semaphore(%arg7 : memref<!tpu.dma_semaphore, #tpu.memory_space<semaphore_mem>>)
    %dma_start3A_14 = arith.constant 1 : i32
    %dma_start3A_15 = arith.constant 128 : i32
    %dma_start3A_16 = arith.constant 0 : i32
    %dma_start3A_17 = tpu.memref_slice %arg6[%dma_start3A_15, %dma_start3A_16] : memref<256x128xf32, #tpu.memory_space<vmem>> -> memref<128x128xf32, #tpu.memory_space<vmem>>
    %dma_start3A_18 = arith.constant 0 : i32
    %dma_start3A_19 = tpu.memref_slice %arg5[%dma_start3A_14, %dma_start3A_18] : memref<4x128xi32, #tpu.memory_space<vmem>> -> memref<1x128xi32, #tpu.memory_space<vmem>>
    %dma_start3A_20 = tpu.memref_squeeze %dma_start3A_19 : memref<1x128xi32, #tpu.memory_space<vmem>> -> memref<128xi32, #tpu.memory_space<vmem>>
    %dma_start3A_21 = arith.constant 0 : i32
    %dma_start3A_22 = arith.constant 0 : i32
    %dma_start3A_23 = tpu.memref_slice %arg3[%dma_start3A_21, %dma_start3A_22] : memref<50000x128xf32, #tpu.memory_space<hbm>> -> memref<50000x128xf32, #tpu.memory_space<hbm>>
    tpu.enqueue_indirect_dma source(%dma_start3A_23 : memref<50000x128xf32, #tpu.memory_space<hbm>>) target(%dma_start3A_17 : memref<128x128xf32, #tpu.memory_space<vmem>>) offsets(%dma_start3A_20 : memref<128xi32, #tpu.memory_space<vmem>>) semaphore(%arg7 : memref<!tpu.dma_semaphore, #tpu.memory_space<semaphore_mem>>)
    %dma_wait3A = arith.constant 0 : i32
    %dma_wait3A_24 = arith.constant 0 : i32
    %dma_wait3A_25 = arith.constant 0 : i32
    %dma_wait3A_26 = tpu.memref_slice %arg6[%dma_wait3A_24, %dma_wait3A_25] : memref<256x128xf32, #tpu.memory_space<vmem>> -> memref<128x128xf32, #tpu.memory_space<vmem>>
    %dma_wait3A_27 = arith.constant 0 : i32
    %dma_wait3A_28 = tpu.memref_slice %arg5[%dma_wait3A, %dma_wait3A_27] : memref<4x128xi32, #tpu.memory_space<vmem>> -> memref<1x128xi32, #tpu.memory_space<vmem>>
    %dma_wait3A_29 = tpu.memref_squeeze %dma_wait3A_28 : memref<1x128xi32, #tpu.memory_space<vmem>> -> memref<128xi32, #tpu.memory_space<vmem>>
    %dma_wait3A_30 = arith.constant 0 : i32
    %dma_wait3A_31 = arith.constant 0 : i32
    %dma_wait3A_32 = tpu.memref_slice %arg3[%dma_wait3A_30, %dma_wait3A_31] : memref<50000x128xf32, #tpu.memory_space<hbm>> -> memref<50000x128xf32, #tpu.memory_space<hbm>>
    tpu.wait_indirect_dma semaphore(%arg7 : memref<!tpu.dma_semaphore, #tpu.memory_space<semaphore_mem>>) src(%dma_wait3A_32 : memref<50000x128xf32, #tpu.memory_space<hbm>>) dst(%dma_wait3A_26 : memref<128x128xf32, #tpu.memory_space<vmem>>)
    %dma_wait3A_33 = arith.constant 1 : i32
    %dma_wait3A_34 = arith.constant 128 : i32
    %dma_wait3A_35 = arith.constant 0 : i32
    %dma_wait3A_36 = tpu.memref_slice %arg6[%dma_wait3A_34, %dma_wait3A_35] : memref<256x128xf32, #tpu.memory_space<vmem>> -> memref<128x128xf32, #tpu.memory_space<vmem>>
    %dma_wait3A_37 = arith.constant 0 : i32
    %dma_wait3A_38 = tpu.memref_slice %arg5[%dma_wait3A_33, %dma_wait3A_37] : memref<4x128xi32, #tpu.memory_space<vmem>> -> memref<1x128xi32, #tpu.memory_space<vmem>>
    %dma_wait3A_39 = tpu.memref_squeeze %dma_wait3A_38 : memref<1x128xi32, #tpu.memory_space<vmem>> -> memref<128xi32, #tpu.memory_space<vmem>>
    %dma_wait3A_40 = arith.constant 0 : i32
    %dma_wait3A_41 = arith.constant 0 : i32
    %dma_wait3A_42 = tpu.memref_slice %arg3[%dma_wait3A_40, %dma_wait3A_41] : memref<50000x128xf32, #tpu.memory_space<hbm>> -> memref<50000x128xf32, #tpu.memory_space<hbm>>
    tpu.wait_indirect_dma semaphore(%arg7 : memref<!tpu.dma_semaphore, #tpu.memory_space<semaphore_mem>>) src(%dma_wait3A_42 : memref<50000x128xf32, #tpu.memory_space<hbm>>) dst(%dma_wait3A_36 : memref<128x128xf32, #tpu.memory_space<vmem>>)
    %add3A_43 = arith.constant 0 : i32
    %add3A_44 = arith.addi %mul3A_2, %add3A_43 : i32
    "tpu.region"() ({
      %run_scoped3A = tpu.sem_alloc : memref<!tpu.dma_semaphore, #tpu.memory_space<semaphore_mem>>
      %dma_start3A_87 = arith.constant 0 : i32
      %dma_start3A_88 = tpu.memref_slice %arg4[%add3A_44, %dma_start3A_87] : memref<16384x128xf32, #tpu.memory_space<hbm>> -> memref<256x128xf32, #tpu.memory_space<hbm>>
      %dma_start3A_89 = arith.constant 0 : i32
      %dma_start3A_90 = tpu.memref_slice %arg4[%add3A_44, %dma_start3A_89] : memref<16384x128xf32, #tpu.memory_space<hbm>> -> memref<256x128xf32, #tpu.memory_space<hbm>>
      tpu.enqueue_dma source(%arg6 : memref<256x128xf32, #tpu.memory_space<vmem>>) target(%dma_start3A_90 : memref<256x128xf32, #tpu.memory_space<hbm>>) target_semaphore(%run_scoped3A : memref<!tpu.dma_semaphore, #tpu.memory_space<semaphore_mem>>)
      %dma_wait3A_91 = arith.constant 0 : i32
      %dma_wait3A_92 = tpu.memref_slice %arg4[%add3A_44, %dma_wait3A_91] : memref<16384x128xf32, #tpu.memory_space<hbm>> -> memref<256x128xf32, #tpu.memory_space<hbm>>
      %dma_wait3A_93 = arith.constant 0 : i32
      %dma_wait3A_94 = tpu.memref_slice %arg4[%add3A_44, %dma_wait3A_93] : memref<16384x128xf32, #tpu.memory_space<hbm>> -> memref<256x128xf32, #tpu.memory_space<hbm>>
      tpu.wait_dma2 semaphore(%run_scoped3A : memref<!tpu.dma_semaphore, #tpu.memory_space<semaphore_mem>>) src(%arg6 : memref<256x128xf32, #tpu.memory_space<vmem>>) dst(%dma_wait3A_94 : memref<256x128xf32, #tpu.memory_space<hbm>>)
      tpu.yield
    }) : () -> ()
    %dma_start3A_45 = arith.constant 2 : i32
    %dma_start3A_46 = arith.constant 0 : i32
    %dma_start3A_47 = arith.constant 0 : i32
    %dma_start3A_48 = tpu.memref_slice %arg6[%dma_start3A_46, %dma_start3A_47] : memref<256x128xf32, #tpu.memory_space<vmem>> -> memref<128x128xf32, #tpu.memory_space<vmem>>
    %dma_start3A_49 = arith.constant 0 : i32
    %dma_start3A_50 = tpu.memref_slice %arg5[%dma_start3A_45, %dma_start3A_49] : memref<4x128xi32, #tpu.memory_space<vmem>> -> memref<1x128xi32, #tpu.memory_space<vmem>>
    %dma_start3A_51 = tpu.memref_squeeze %dma_start3A_50 : memref<1x128xi32, #tpu.memory_space<vmem>> -> memref<128xi32, #tpu.memory_space<vmem>>
    %dma_start3A_52 = arith.constant 0 : i32
    %dma_start3A_53 = arith.constant 0 : i32
    %dma_start3A_54 = tpu.memref_slice %arg3[%dma_start3A_52, %dma_start3A_53] : memref<50000x128xf32, #tpu.memory_space<hbm>> -> memref<50000x128xf32, #tpu.memory_space<hbm>>
    tpu.enqueue_indirect_dma source(%dma_start3A_54 : memref<50000x128xf32, #tpu.memory_space<hbm>>) target(%dma_start3A_48 : memref<128x128xf32, #tpu.memory_space<vmem>>) offsets(%dma_start3A_51 : memref<128xi32, #tpu.memory_space<vmem>>) semaphore(%arg7 : memref<!tpu.dma_semaphore, #tpu.memory_space<semaphore_mem>>)
    %dma_start3A_55 = arith.constant 3 : i32
    %dma_start3A_56 = arith.constant 128 : i32
    %dma_start3A_57 = arith.constant 0 : i32
    %dma_start3A_58 = tpu.memref_slice %arg6[%dma_start3A_56, %dma_start3A_57] : memref<256x128xf32, #tpu.memory_space<vmem>> -> memref<128x128xf32, #tpu.memory_space<vmem>>
    %dma_start3A_59 = arith.constant 0 : i32
    %dma_start3A_60 = tpu.memref_slice %arg5[%dma_start3A_55, %dma_start3A_59] : memref<4x128xi32, #tpu.memory_space<vmem>> -> memref<1x128xi32, #tpu.memory_space<vmem>>
    %dma_start3A_61 = tpu.memref_squeeze %dma_start3A_60 : memref<1x128xi32, #tpu.memory_space<vmem>> -> memref<128xi32, #tpu.memory_space<vmem>>
    %dma_start3A_62 = arith.constant 0 : i32
    %dma_start3A_63 = arith.constant 0 : i32
    %dma_start3A_64 = tpu.memref_slice %arg3[%dma_start3A_62, %dma_start3A_63] : memref<50000x128xf32, #tpu.memory_space<hbm>> -> memref<50000x128xf32, #tpu.memory_space<hbm>>
    tpu.enqueue_indirect_dma source(%dma_start3A_64 : memref<50000x128xf32, #tpu.memory_space<hbm>>) target(%dma_start3A_58 : memref<128x128xf32, #tpu.memory_space<vmem>>) offsets(%dma_start3A_61 : memref<128xi32, #tpu.memory_space<vmem>>) semaphore(%arg7 : memref<!tpu.dma_semaphore, #tpu.memory_space<semaphore_mem>>)
    %dma_wait3A_65 = arith.constant 2 : i32
    %dma_wait3A_66 = arith.constant 0 : i32
    %dma_wait3A_67 = arith.constant 0 : i32
    %dma_wait3A_68 = tpu.memref_slice %arg6[%dma_wait3A_66, %dma_wait3A_67] : memref<256x128xf32, #tpu.memory_space<vmem>> -> memref<128x128xf32, #tpu.memory_space<vmem>>
    %dma_wait3A_69 = arith.constant 0 : i32
    %dma_wait3A_70 = tpu.memref_slice %arg5[%dma_wait3A_65, %dma_wait3A_69] : memref<4x128xi32, #tpu.memory_space<vmem>> -> memref<1x128xi32, #tpu.memory_space<vmem>>
    %dma_wait3A_71 = tpu.memref_squeeze %dma_wait3A_70 : memref<1x128xi32, #tpu.memory_space<vmem>> -> memref<128xi32, #tpu.memory_space<vmem>>
    %dma_wait3A_72 = arith.constant 0 : i32
    %dma_wait3A_73 = arith.constant 0 : i32
    %dma_wait3A_74 = tpu.memref_slice %arg3[%dma_wait3A_72, %dma_wait3A_73] : memref<50000x128xf32, #tpu.memory_space<hbm>> -> memref<50000x128xf32, #tpu.memory_space<hbm>>
    tpu.wait_indirect_dma semaphore(%arg7 : memref<!tpu.dma_semaphore, #tpu.memory_space<semaphore_mem>>) src(%dma_wait3A_74 : memref<50000x128xf32, #tpu.memory_space<hbm>>) dst(%dma_wait3A_68 : memref<128x128xf32, #tpu.memory_space<vmem>>)
    %dma_wait3A_75 = arith.constant 3 : i32
    %dma_wait3A_76 = arith.constant 128 : i32
    %dma_wait3A_77 = arith.constant 0 : i32
    %dma_wait3A_78 = tpu.memref_slice %arg6[%dma_wait3A_76, %dma_wait3A_77] : memref<256x128xf32, #tpu.memory_space<vmem>> -> memref<128x128xf32, #tpu.memory_space<vmem>>
    %dma_wait3A_79 = arith.constant 0 : i32
    %dma_wait3A_80 = tpu.memref_slice %arg5[%dma_wait3A_75, %dma_wait3A_79] : memref<4x128xi32, #tpu.memory_space<vmem>> -> memref<1x128xi32, #tpu.memory_space<vmem>>
    %dma_wait3A_81 = tpu.memref_squeeze %dma_wait3A_80 : memref<1x128xi32, #tpu.memory_space<vmem>> -> memref<128xi32, #tpu.memory_space<vmem>>
    %dma_wait3A_82 = arith.constant 0 : i32
    %dma_wait3A_83 = arith.constant 0 : i32
    %dma_wait3A_84 = tpu.memref_slice %arg3[%dma_wait3A_82, %dma_wait3A_83] : memref<50000x128xf32, #tpu.memory_space<hbm>> -> memref<50000x128xf32, #tpu.memory_space<hbm>>
    tpu.wait_indirect_dma semaphore(%arg7 : memref<!tpu.dma_semaphore, #tpu.memory_space<semaphore_mem>>) src(%dma_wait3A_84 : memref<50000x128xf32, #tpu.memory_space<hbm>>) dst(%dma_wait3A_78 : memref<128x128xf32, #tpu.memory_space<vmem>>)
    %add3A_85 = arith.constant 256 : i32
    %add3A_86 = arith.addi %mul3A_2, %add3A_85 : i32
    "tpu.region"() ({
      %run_scoped3A = tpu.sem_alloc : memref<!tpu.dma_semaphore, #tpu.memory_space<semaphore_mem>>
      %dma_start3A_87 = arith.constant 0 : i32
      %dma_start3A_88 = tpu.memref_slice %arg4[%add3A_86, %dma_start3A_87] : memref<16384x128xf32, #tpu.memory_space<hbm>> -> memref<256x128xf32, #tpu.memory_space<hbm>>
      %dma_start3A_89 = arith.constant 0 : i32
      %dma_start3A_90 = tpu.memref_slice %arg4[%add3A_86, %dma_start3A_89] : memref<16384x128xf32, #tpu.memory_space<hbm>> -> memref<256x128xf32, #tpu.memory_space<hbm>>
      tpu.enqueue_dma source(%arg6 : memref<256x128xf32, #tpu.memory_space<vmem>>) target(%dma_start3A_90 : memref<256x128xf32, #tpu.memory_space<hbm>>) target_semaphore(%run_scoped3A : memref<!tpu.dma_semaphore, #tpu.memory_space<semaphore_mem>>)
      %dma_wait3A_91 = arith.constant 0 : i32
      %dma_wait3A_92 = tpu.memref_slice %arg4[%add3A_86, %dma_wait3A_91] : memref<16384x128xf32, #tpu.memory_space<hbm>> -> memref<256x128xf32, #tpu.memory_space<hbm>>
      %dma_wait3A_93 = arith.constant 0 : i32
      %dma_wait3A_94 = tpu.memref_slice %arg4[%add3A_86, %dma_wait3A_93] : memref<16384x128xf32, #tpu.memory_space<hbm>> -> memref<256x128xf32, #tpu.memory_space<hbm>>
      tpu.wait_dma2 semaphore(%run_scoped3A : memref<!tpu.dma_semaphore, #tpu.memory_space<semaphore_mem>>) src(%arg6 : memref<256x128xf32, #tpu.memory_space<vmem>>) dst(%dma_wait3A_94 : memref<256x128xf32, #tpu.memory_space<hbm>>)
      tpu.yield
    }) : () -> ()
    return
  }
}

module attributes {stable_mosaic.version = 14 : i64} {
  func.func @_mlp_body(%arg0: i32, %arg1: memref<2048x128xf32, #tpu.memory_space<vmem>>, %arg2: memref<2048x128xf32, #tpu.memory_space<vmem>>, %arg3: memref<2048x128xf32, #tpu.memory_space<vmem>>, %arg4: memref<2048x3xf32, #tpu.memory_space<vmem>>, %arg5: memref<192x128xf32, #tpu.memory_space<vmem>>, %arg6: memref<1x128xf32, #tpu.memory_space<vmem>>, %arg7: memref<128x128xf32, #tpu.memory_space<vmem>>, %arg8: memref<1x128xf32, #tpu.memory_space<vmem>>, %arg9: memref<2048x128xf32, #tpu.memory_space<vmem>>) attributes {dimension_semantics = [#tpu.dimension_semantics<arbitrary>], iteration_bounds = array<i64: 8>, scalar_prefetch = 0 : i64, scratch_operands = 0 : i64, tpu.core_type = #tpu.core_type<tc>, window_params = [{transform_indices = @transform_0, window_bounds = array<i64: 2048, 128>}, {transform_indices = @transform_1, window_bounds = array<i64: 2048, 128>}, {transform_indices = @transform_2, window_bounds = array<i64: 2048, 128>}, {transform_indices = @transform_3, window_bounds = array<i64: 2048, 3>}, {pipeline_mode = #tpu.pipeline_mode<synchronous>, transform_indices = @transform_4, window_bounds = array<i64: 192, 128>}, {pipeline_mode = #tpu.pipeline_mode<synchronous>, transform_indices = @transform_5, window_bounds = array<i64: 1, 128>}, {pipeline_mode = #tpu.pipeline_mode<synchronous>, transform_indices = @transform_6, window_bounds = array<i64: 128, 128>}, {pipeline_mode = #tpu.pipeline_mode<synchronous>, transform_indices = @transform_7, window_bounds = array<i64: 1, 128>}, {transform_indices = @transform_8, window_bounds = array<i64: 2048, 128>}]} {
    %get3A = arith.constant 0 : index
    %get3A_0 = arith.constant 0 : index
    %get3A_1 = vector.load %arg1[%get3A, %get3A_0] : memref<2048x128xf32, #tpu.memory_space<vmem>>, vector<2048x128xf32>
    %get3A_2 = arith.constant 0 : index
    %get3A_3 = arith.constant 0 : index
    %get3A_4 = vector.load %arg4[%get3A_2, %get3A_3] : memref<2048x3xf32, #tpu.memory_space<vmem>>, vector<2048x1xf32>
    %slice3A = vector.extract_strided_slice %get3A_1 {offsets = [0, 0], sizes = [2048, 64], strides = [1, 1]} : vector<2048x128xf32> to vector<2048x64xf32>
    %sub3A = arith.constant 1.000000e+00 : f32
    %sub3A_5 = vector.broadcast %sub3A : f32 to vector<2048x1xf32>
    %sub3A_6 = arith.subf %sub3A_5, %get3A_4 : vector<2048x1xf32>
    %mul3A = vector.broadcast %sub3A_6 : vector<2048x1xf32> to vector<2048x64xf32>
    %mul3A_7 = arith.mulf %slice3A, %mul3A : vector<2048x64xf32>
    %slice3A_8 = vector.extract_strided_slice %get3A_1 {offsets = [0, 64], sizes = [2048, 64], strides = [1, 1]} : vector<2048x128xf32> to vector<2048x64xf32>
    %mul3A_9 = vector.broadcast %get3A_4 : vector<2048x1xf32> to vector<2048x64xf32>
    %mul3A_10 = arith.mulf %slice3A_8, %mul3A_9 : vector<2048x64xf32>
    %add3A = arith.addf %mul3A_7, %mul3A_10 : vector<2048x64xf32>
    %get3A_11 = arith.constant 0 : index
    %get3A_12 = arith.constant 0 : index
    %get3A_13 = vector.load %arg5[%get3A_11, %get3A_12] : memref<192x128xf32, #tpu.memory_space<vmem>>, vector<64x128xf32>
    %dot_general3A = arith.constant dense<0.000000e+00> : vector<2048x128xf32>
    %dot_general3A_14 = tpu.matmul %add3A, %get3A_13, %dot_general3A {dimension_numbers = #tpu.dot_dimension_numbers<[1], [0], [0], [1], [0, 0, 1, 1], [], []>, transpose_lhs_hint = false} : vector<2048x64xf32>, vector<64x128xf32>, vector<2048x128xf32> -> vector<2048x128xf32>
    %get3A_15 = arith.constant 0 : index
    %get3A_16 = arith.constant 0 : index
    %get3A_17 = vector.load %arg2[%get3A_15, %get3A_16] : memref<2048x128xf32, #tpu.memory_space<vmem>>, vector<2048x128xf32>
    %get3A_18 = arith.constant 0 : index
    %get3A_19 = arith.constant 1 : index
    %get3A_20 = vector.load %arg4[%get3A_18, %get3A_19] : memref<2048x3xf32, #tpu.memory_space<vmem>>, vector<2048x1xf32>
    %slice3A_21 = vector.extract_strided_slice %get3A_17 {offsets = [0, 0], sizes = [2048, 64], strides = [1, 1]} : vector<2048x128xf32> to vector<2048x64xf32>
    %sub3A_22 = arith.constant 1.000000e+00 : f32
    %sub3A_23 = vector.broadcast %sub3A_22 : f32 to vector<2048x1xf32>
    %sub3A_24 = arith.subf %sub3A_23, %get3A_20 : vector<2048x1xf32>
    %mul3A_25 = vector.broadcast %sub3A_24 : vector<2048x1xf32> to vector<2048x64xf32>
    %mul3A_26 = arith.mulf %slice3A_21, %mul3A_25 : vector<2048x64xf32>
    %slice3A_27 = vector.extract_strided_slice %get3A_17 {offsets = [0, 64], sizes = [2048, 64], strides = [1, 1]} : vector<2048x128xf32> to vector<2048x64xf32>
    %mul3A_28 = vector.broadcast %get3A_20 : vector<2048x1xf32> to vector<2048x64xf32>
    %mul3A_29 = arith.mulf %slice3A_27, %mul3A_28 : vector<2048x64xf32>
    %add3A_30 = arith.addf %mul3A_26, %mul3A_29 : vector<2048x64xf32>
    %get3A_31 = arith.constant 64 : index
    %get3A_32 = arith.constant 0 : index
    %get3A_33 = vector.load %arg5[%get3A_31, %get3A_32] : memref<192x128xf32, #tpu.memory_space<vmem>>, vector<64x128xf32>
    %dot_general3A_34 = arith.constant dense<0.000000e+00> : vector<2048x128xf32>
    %dot_general3A_35 = tpu.matmul %add3A_30, %get3A_33, %dot_general3A_34 {dimension_numbers = #tpu.dot_dimension_numbers<[1], [0], [0], [1], [0, 0, 1, 1], [], []>, transpose_lhs_hint = false} : vector<2048x64xf32>, vector<64x128xf32>, vector<2048x128xf32> -> vector<2048x128xf32>
    %add3A_36 = arith.addf %dot_general3A_14, %dot_general3A_35 : vector<2048x128xf32>
    %get3A_37 = arith.constant 0 : index
    %get3A_38 = arith.constant 0 : index
    %get3A_39 = vector.load %arg3[%get3A_37, %get3A_38] : memref<2048x128xf32, #tpu.memory_space<vmem>>, vector<2048x128xf32>
    %get3A_40 = arith.constant 0 : index
    %get3A_41 = arith.constant 2 : index
    %get3A_42 = vector.load %arg4[%get3A_40, %get3A_41] : memref<2048x3xf32, #tpu.memory_space<vmem>>, vector<2048x1xf32>
    %slice3A_43 = vector.extract_strided_slice %get3A_39 {offsets = [0, 0], sizes = [2048, 64], strides = [1, 1]} : vector<2048x128xf32> to vector<2048x64xf32>
    %sub3A_44 = arith.constant 1.000000e+00 : f32
    %sub3A_45 = vector.broadcast %sub3A_44 : f32 to vector<2048x1xf32>
    %sub3A_46 = arith.subf %sub3A_45, %get3A_42 : vector<2048x1xf32>
    %mul3A_47 = vector.broadcast %sub3A_46 : vector<2048x1xf32> to vector<2048x64xf32>
    %mul3A_48 = arith.mulf %slice3A_43, %mul3A_47 : vector<2048x64xf32>
    %slice3A_49 = vector.extract_strided_slice %get3A_39 {offsets = [0, 64], sizes = [2048, 64], strides = [1, 1]} : vector<2048x128xf32> to vector<2048x64xf32>
    %mul3A_50 = vector.broadcast %get3A_42 : vector<2048x1xf32> to vector<2048x64xf32>
    %mul3A_51 = arith.mulf %slice3A_49, %mul3A_50 : vector<2048x64xf32>
    %add3A_52 = arith.addf %mul3A_48, %mul3A_51 : vector<2048x64xf32>
    %get3A_53 = arith.constant 128 : index
    %get3A_54 = arith.constant 0 : index
    %get3A_55 = vector.load %arg5[%get3A_53, %get3A_54] : memref<192x128xf32, #tpu.memory_space<vmem>>, vector<64x128xf32>
    %dot_general3A_56 = arith.constant dense<0.000000e+00> : vector<2048x128xf32>
    %dot_general3A_57 = tpu.matmul %add3A_52, %get3A_55, %dot_general3A_56 {dimension_numbers = #tpu.dot_dimension_numbers<[1], [0], [0], [1], [0, 0, 1, 1], [], []>, transpose_lhs_hint = false} : vector<2048x64xf32>, vector<64x128xf32>, vector<2048x128xf32> -> vector<2048x128xf32>
    %add3A_58 = arith.addf %add3A_36, %dot_general3A_57 : vector<2048x128xf32>
    %get3A_59 = arith.constant 0 : index
    %get3A_60 = arith.constant 0 : index
    %get3A_61 = vector.load %arg6[%get3A_59, %get3A_60] : memref<1x128xf32, #tpu.memory_space<vmem>>, vector<1x128xf32>
    %add3A_62 = vector.broadcast %get3A_61 : vector<1x128xf32> to vector<2048x128xf32>
    %add3A_63 = arith.addf %add3A_58, %add3A_62 : vector<2048x128xf32>
    %logistic3A = arith.negf %add3A_63 : vector<2048x128xf32>
    %logistic3A_64 = math.exp %logistic3A : vector<2048x128xf32>
    %logistic3A_65 = arith.constant 1.000000e+00 : f32
    %logistic3A_66 = vector.broadcast %logistic3A_65 : f32 to vector<2048x128xf32>
    %logistic3A_67 = arith.addf %logistic3A_66, %logistic3A_64 : vector<2048x128xf32>
    %logistic3A_68 = arith.divf %logistic3A_66, %logistic3A_67 : vector<2048x128xf32>
    %mul3A_69 = arith.mulf %add3A_63, %logistic3A_68 : vector<2048x128xf32>
    %get3A_70 = arith.constant 0 : index
    %get3A_71 = arith.constant 0 : index
    %get3A_72 = vector.load %arg7[%get3A_70, %get3A_71] : memref<128x128xf32, #tpu.memory_space<vmem>>, vector<128x128xf32>
    %dot_general3A_73 = arith.constant dense<0.000000e+00> : vector<2048x128xf32>
    %dot_general3A_74 = tpu.matmul %mul3A_69, %get3A_72, %dot_general3A_73 {dimension_numbers = #tpu.dot_dimension_numbers<[1], [0], [0], [1], [0, 0, 1, 1], [], []>, transpose_lhs_hint = false} : vector<2048x128xf32>, vector<128x128xf32>, vector<2048x128xf32> -> vector<2048x128xf32>
    %get3A_75 = arith.constant 0 : index
    %get3A_76 = arith.constant 0 : index
    %get3A_77 = vector.load %arg8[%get3A_75, %get3A_76] : memref<1x128xf32, #tpu.memory_space<vmem>>, vector<1x128xf32>
    %add3A_78 = vector.broadcast %get3A_77 : vector<1x128xf32> to vector<2048x128xf32>
    %add3A_79 = arith.addf %dot_general3A_74, %add3A_78 : vector<2048x128xf32>
    %swap3A = arith.constant 0 : index
    %swap3A_80 = arith.constant 0 : index
    %swap3A_81 = vector.load %arg9[%swap3A, %swap3A_80] : memref<2048x128xf32, #tpu.memory_space<vmem>>, vector<2048x128xf32>
    tpu.vector_store %arg9[%swap3A, %swap3A_80], %add3A_79 {strides = array<i32>} : memref<2048x128xf32, #tpu.memory_space<vmem>>, vector<2048x128xf32>,
    return
  }
  func.func @transform_0(%arg0: i32) -> (i32, i32) {
    %c0_i32 = arith.constant 0 : i32
    %c0_i32_0 = arith.constant 0 : i32
    return %arg0, %c0_i32 : i32, i32
  }
  func.func @transform_1(%arg0: i32) -> (i32, i32) {
    %c0_i32 = arith.constant 0 : i32
    %c0_i32_0 = arith.constant 0 : i32
    return %arg0, %c0_i32 : i32, i32
  }
  func.func @transform_2(%arg0: i32) -> (i32, i32) {
    %c0_i32 = arith.constant 0 : i32
    %c0_i32_0 = arith.constant 0 : i32
    return %arg0, %c0_i32 : i32, i32
  }
  func.func @transform_3(%arg0: i32) -> (i32, i32) {
    %c0_i32 = arith.constant 0 : i32
    %c0_i32_0 = arith.constant 0 : i32
    return %arg0, %c0_i32 : i32, i32
  }
  func.func @transform_4(%arg0: i32) -> (i32, i32) {
    %c0_i32 = arith.constant 0 : i32
    %c0_i32_0 = arith.constant 0 : i32
    %c0_i32_1 = arith.constant 0 : i32
    return %c0_i32, %c0_i32_0 : i32, i32
  }
  func.func @transform_5(%arg0: i32) -> (i32, i32) {
    %c0_i32 = arith.constant 0 : i32
    %c0_i32_0 = arith.constant 0 : i32
    %c0_i32_1 = arith.constant 0 : i32
    return %c0_i32, %c0_i32_0 : i32, i32
  }
  func.func @transform_6(%arg0: i32) -> (i32, i32) {
    %c0_i32 = arith.constant 0 : i32
    %c0_i32_0 = arith.constant 0 : i32
    %c0_i32_1 = arith.constant 0 : i32
    return %c0_i32, %c0_i32_0 : i32, i32
  }
  func.func @transform_7(%arg0: i32) -> (i32, i32) {
    %c0_i32 = arith.constant 0 : i32
    %c0_i32_0 = arith.constant 0 : i32
    %c0_i32_1 = arith.constant 0 : i32
    return %c0_i32, %c0_i32_0 : i32, i32
  }
  func.func @transform_8(%arg0: i32) -> (i32, i32) {
    %c0_i32 = arith.constant 0 : i32
    %c0_i32_0 = arith.constant 0 : i32
    return %arg0, %c0_i32 : i32, i32
  }
}

</mosaic_0001>

<sc_bundles>
// kernel: kernel.12.cloned.1.call-start
scs
__scs_entry_jumppad:
0x0: {  	(pc) =	sbr.rel $0x88, $3  }
0x1: {  	(tag) =	ssettag $0x0;
	lr =	simm.s32 $0x1  }
0x2: {  	[smem:$0x3F99] =	sst lr;
	_ =	strace $0xD0000000  }
0x3: {  	_ = 	snop  }
0x4: {  	_ = 	snop  }
0x5: {  	_ = 	snop  }
0x6: {  	_ = 	snop  }
0x7: {  	_ = 	snop  }
__scs_overlays_trampoline_lowered:
0x8: {  	[smem:$0x3FA8] =	sst s0  }
0x9: {  	[smem:$0x3FA9] =	sst s1  }
0xa: {  	[smem:$0x3FAA] =	sst s2  }
0xb: {  	[smem:$0x3FAB] =	sst s3  }
0xc: {  	[smem:$0x3FAC] =	sst s4  }
0xd: {  	[smem:$0x3FAD] =	sst s5  }
0xe: {  	[smem:$0x3FAE] =	sst s6  }
0xf: {  	[smem:$0x3FAF] =	sst s7  }
0x10: {  	[smem:$0x3FB0] =	sst s8  }
0x11: {  	[smem:$0x3FB1] =	sst s9;
	s0 =	simm.s32 @!p0 $0x0  }
0x12: {  	s1 =	sld [smem:$0x3F97];
	s0 =	simm.s32 @p0 $0x1  }
0x13: {  	[smem:$0x3FB2] =	sst s0;
	s0 =	simm.s32 @!p1 $0x0  }
0x14: {  	s2 =	sld [smem:$0x3F96];
	s0 =	simm.s32 @p1 $0x1  }
0x15: {  	[smem:$0x3FB3] =	sst s0;
	s0 =	simm.s32 @!p2 $0x0  }
0x16: {  	s3 =	sld [smem:$0x3FDB];
	s0 =	simm.s32 @p2 $0x1  }
0x17: {  	s4 =	simm.s32 $0x1BF5;
	[smem:$0x3FB5] =	sst s0  }
0x18: {  	s0 =	sld [smem:$0x3F98];
	_ =	swait.ge [sflag:s4], $0x0  }
0x19: {  	s7 =	sld [smem:$0x3F99]  }
0x1a: {  	s8 =	sadd.s32 $0xFFFFE003, lr  }
0x1b: {  	s9 =	sadd.s32 $0xFFFFFEF7, lr;
	s5 =	simm.s32 $0xFFFFFFFF;
	p2 =	slt.u32 s8, $0xFFFFF086  }
0x1c: {  	p1 =	slt.u32 s9, $0xF7A;
	s5 =	simm.s32 @!p2 $0x0  }
0x1d: {  	s5 =	simm.s32 @p1 $0x1;
	p0 =	seq.s32 s7, s2  }
0x1e: {  	s7 =	smul.u32 @!p0 $0xF7A, s2;
	p2 =	seq.s32 @!p0 s5, $0x0  }
0x1f: {  	s9 =	smul.u32 $0xF7A, s1;
	s8 =	simm.s32 @!p0 $0x1BF5;
	p2 =	por !p2, p0  }
0x20: {  	[sflag:s8] =	ssyncset.s32 @!p0 $0xFFFFF086;
	s6 =	sadd.s32 @!p0 s3, s7;
	s7 =	simm.s32 @!p0 $0x108  }
0x21: {  	s3 =	sadd.s32 s3, s9;
	s6 =	sadd.s32 @!p0 $0x88, s6;
	s7 =	simm.s32 @p2 $0x1082  }
0x22: {  	[simem:s7], [sflag:s8] =	dma.local @!p0 [hbm:s6], $0xF7A  }
0x23: {  	s9 =	sor.u32 $0xD0000000, s2;
	s6 =	simm.s32 $0x108;
	_ =	swait.ge @!p0 [sflag:s8], $0x0  }
0x24: {  	s3 =	sadd.s32 $0x88, s3;
	s6 =	simm.s32 @!p1 $0x1082;
	[sflag:s4] =	ssyncset.s32 $0xFFFFF086  }
0x25: {  	[simem:s6], [sflag:s4] =	dma.local [hbm:s3], $0xF7A  }
0x26: {  	[smem:$0x3F99] =	sst s1;
	(tag) =	ssettag s2;
	_ =	strace s9  }
0x27: {  	s1 =	sld [smem:$0x3FA9]  }
0x28: {  	s2 =	sld [smem:$0x3FAA]  }
0x29: {  	s4 =	sld [smem:$0x3FAC]  }
0x2a: {  	p0 =	seq.s32 s5, $0x0;
	s5 =	sld [smem:$0x3FAD]  }
0x2b: {  	s6 =	sld [smem:$0x3FAE]  }
0x2c: {  	s7 =	sld [smem:$0x3FAF]  }
0x2d: {  	s3 =	simm.s32 $0x108;
	s8 =	sld [smem:$0x3FB0]  }
0x2e: {  	s3 =	simm.s32 @!p0 $0x1082;
	s9 =	sld [smem:$0x3FB1]  }
0x2f: {  	lr =	sadd.s32 s0, s3;
	s0 =	sld [smem:$0x3FA8]  }
0x30: {  	s3 =	sld [smem:$0x3FAB]  }
0x31: {  	[smem:$0x3FB4] =	sst s10  }
0x32: {  	s10 =	sld [smem:$0x3FB2];
	_ =	sdelay $0x3  }
0x33: {  	p0 =	seq.s32 s10, $0x1;
	s10 =	sld [smem:$0x3FB4];
	_ =	sdelay $0x3  }
0x34: {  	[smem:$0x3FB4] =	sst s10  }
0x35: {  	s10 =	sld [smem:$0x3FB3];
	_ =	sdelay $0x3  }
0x36: {  	p1 =	seq.s32 s10, $0x1;
	s10 =	sld [smem:$0x3FB4];
	_ =	sdelay $0x3  }
0x37: {  	[smem:$0x3FB4] =	sst s10  }
0x38: {  	s10 =	sld [smem:$0x3FB5]  }
0x39: {  	_ = 	snop;
	(pc) =	sbr.ind lr, $3  }
0x3a: {  	_ = 	snop  }
0x3b: {  	_ = 	snop  }
0x3c: {  	p2 =	seq.s32 s10, $0x1;
	s10 =	sld [smem:$0x3FB4]  }
0x3d: {  	_ =	shalt  }
0x3e: {  	_ =	shalt  }
0x3f: {  	_ =	shalt  }
0x40: {  	_ =	shalt  }
0x41: {  	_ =	shalt  }
0x42: {  	_ =	shalt  }
0x43: {  	_ =	shalt  }
0x44: {  	_ =	shalt  }
0x45: {  	_ =	shalt  }
0x46: {  	_ =	shalt  }
0x47: {  	_ =	shalt  }
0x48: {  	_ =	shalt  }
0x49: {  	_ =	shalt  }
0x4a: {  	_ =	shalt  }
0x4b: {  	_ =	shalt  }
0x4c: {  	_ =	shalt  }
0x4d: {  	_ =	shalt  }
0x4e: {  	_ =	shalt  }
0x4f: {  	_ =	shalt  }
0x50: {  	_ =	shalt  }
0x51: {  	_ =	shalt  }
0x52: {  	_ =	shalt  }
0x53: {  	_ =	shalt  }
0x54: {  	_ =	shalt  }
0x55: {  	_ =	shalt  }
0x56: {  	_ =	shalt  }
0x57: {  	_ =	shalt  }
0x58: {  	_ =	shalt  }
0x59: {  	_ =	shalt  }
0x5a: {  	_ =	shalt  }
0x5b: {  	_ =	shalt  }
0x5c: {  	_ =	shalt  }
0x5d: {  	_ =	shalt  }
0x5e: {  	_ =	shalt  }
0x5f: {  	_ =	shalt  }
0x60: {  	_ =	shalt  }
0x61: {  	_ =	shalt  }
0x62: {  	_ =	shalt  }
0x63: {  	_ =	shalt  }
0x64: {  	_ =	shalt  }
0x65: {  	_ =	shalt  }
0x66: {  	_ =	shalt  }
0x67: {  	_ =	shalt  }
0x68: {  	_ =	shalt  }
0x69: {  	_ =	shalt  }
0x6a: {  	_ =	shalt  }
0x6b: {  	_ =	shalt  }
0x6c: {  	_ =	shalt  }
0x6d: {  	_ =	shalt  }
0x6e: {  	_ =	shalt  }
0x6f: {  	_ =	shalt  }
0x70: {  	_ =	shalt  }
0x71: {  	_ =	shalt  }
0x72: {  	_ =	shalt  }
0x73: {  	_ =	shalt  }
0x74: {  	_ =	shalt  }
0x75: {  	_ =	shalt  }
0x76: {  	_ =	shalt  }
0x77: {  	_ =	shalt  }
0x78: {  	_ =	shalt  }
0x79: {  	_ =	shalt  }
0x7a: {  	_ =	shalt  }
0x7b: {  	_ =	shalt  }
0x7c: {  	_ =	shalt  }
0x7d: {  	_ =	shalt  }
0x7e: {  	_ =	shalt  }
0x7f: {  	_ =	shalt  }
0x80: {  	_ =	shalt  }
0x81: {  	_ =	shalt  }
0x82: {  	_ =	shalt  }
0x83: {  	_ =	shalt  }
0x84: {  	_ =	shalt  }
0x85: {  	_ =	shalt  }
0x86: {  	_ =	shalt  }
0x87: {  	_ =	shalt  }
.Lfunc_end0:
.L_simem_size_0:
called_computation.2_lowered:
.L_overlay_start_0:
0x88: {  	s2 =	sld [smem:$0x3FD9]  }
0x89: {  	s3 =	sld [smem:$0x3FFE];
	_ =	sdelay $0x1  }
0x8a: {  	s1 =	srdreg.scid  }
0x8b: {  	s0 =	sand.u32 $0x1, s1  }
0x8c: {  	s16 =	sshll.u32 s0, $0xA;
	s2 =	sadd.s32 s3, s2  }
0x8d: {  	s2 =	sadd.s32 s2, s16  }
0x8e: {  	[smem:$0x3FC0] =	sst s2  }
0x8f: {  	_ = 	snop  }
0x90: {  	(tm) =	ssettm $0x1  }
0x91: {  	s17 =	sld [smem:$0x3FFB];
	_ =	sdelay $0x3  }
0x92: {  	_ =	strace s17  }
0x93: {  	s2 =	sld [smem:$0x3FFC];
	_ =	sdelay $0x3  }
0x94: {  	_ =	strace s2  }
0x95: {  	s2 =	sld [smem:$0x3FFD];
	_ =	sdelay $0x3  }
0x96: {  	_ =	strace s2  }
0x97: {  	_ =	strace $0x8FFFFFFF  }
0x98: {  	s18 =	sld [smem:$0x3FDB];
	_ =	sdelay $0x1  }
0x99: {  	s19 =	simm.s32 $_scs_section_size  }
0x9a: {  	s4 =	simm.s32 $_size__tile_overlayer_lowered;
	s5 =	simm.s32 $_tile_overlayer_lowered  }
0x9b: {  	s22 =	simm.s32 $0x1BFF;
	s21 =	sshll.u32 s5, $0x1;
	s2 =	sadd.s32 s19, s18  }
0x9c: {  	s6 =	simm.s32 $0x0;
	s20 =	sshll.u32 s4, $0x1;
	s4 =	sadd.s32 s21, s2  }
0x9d: {  	[timem:s6], [sflag:s22] =	dma.local [hbm:s4], s20  }
0x9e: {  	_ =	swait.ge [sflag:s22], s20  }
0x9f: {  	s3 =	ssub.s32 $0x0, s20;
	[sflag:s22] =	ssyncset.done $0x0  }
0xa0: {  	[sflag:s22] =	ssyncadd.s32 s3;
	_ =	sdelay $0x1  }
0xa1: {  	s23 =	simm.s32 $0x1B8B  }
0xa2: {  	_ =	swait.ge [sflag:s23], $0x1  }
0xa3: {  	[sflag:s23] =	ssyncset.done $0x0  }
0xa4: {  	s25 =	simm.s32 $0x1B8E;
	s24 =	sld [smem:$0x3FFE];
	[sflag:s23] =	ssyncadd.s32 $0xFFFFFFFF  }
0xa5: {  	s26 =	simm.s32 $execute0_lowered;
	[smem:$0x3FD2] =	sst s25  }
0xa6: {  	s4 =	sshll.u32 s26, $0x1;
	_ =	strace $0x80000046;
	[dreg:$0x1] =	wrdreg $0xFFFFFFFF  }
0xa7: {  	s28 =	simm.s32 $_size_execute0_lowered;
	s2 =	sadd.s32 s2, s4;
	[dreg:$0x0] =	wrdreg $0x0  }
0xa8: {  	s4 =	sshll.u32 s28, $0x1;
	[dreg:$0x2] =	wrdreg s2  }
0xa9: {  	[dreg:$0x3] =	wrdreg s4  }
0xaa: {  	[dreg:$0x4] =	wrdreg $0xC0  }
0xab: {  	_ =	task [dreg:s6], $0x5FFFF  }
0xac: {  	[dreg:$0x1] =	wrdreg $0xFFFFFFFF  }
0xad: {  	[dreg:$0x0] =	wrdreg $0x60  }
0xae: {  	[dreg:$0x2] =	wrdreg s24  }
0xaf: {  	[dreg:$0x3] =	wrdreg $0xB  }
0xb0: {  	_ =	task.clear_ibuf [dreg:s6], $0x4FFFF;
	_ =	strace $0x90000046  }
0xb1: {  	s29 =	simm.s32 $0xB;
	_ =	strace $0x80000048  }
0xb2: {  	_ =	swait.ge [sflag:s29], $0x1  }
0xb3: {  	[sflag:s29] =	ssyncadd.s32 $0xFFFFFFFF  }
0xb4: {  	_ =	strace $0x90000048  }
0xb5: {  	_ =	sfence  }
0xb6: {  	s30 =	sld [smem:$0x0];
	_ =	sdelay $0x2  }
0xb7: {  	s31 =	sshll.u32 s1, $0xD;
	s1 =	sshrl.u32 s1, $0x2  }
0xb8: {  	s3 =	sand.u32 $0x4000, s31;
	s1 =	sadd.s32 s1, s30  }
0xb9: {  	s0 =	sor.u32 s3, s0;
	s1 =	sshll.u32 s1, $0x11  }
0xba: {  	s0 =	sor.u32 s1, s0  }
0xbb: {  	s0 =	sadd.s32 $0x8F2B, s0  }
0xbc: {  	[sflag:s0] =	ssyncadd.remote.s32 $0x1  }
0xbd: {  	_ =	sfence.sel $0xFFFF  }
0xbe: {  	[dreg:$0x0] =	wrdreg $0xFFFFFFFF;
	(pc) =	sbr.abs _section_cstart, $3  }
0xbf: {  	[dreg:$0x1] =	wrdreg $0xFFFFFFFF  }
0xc0: {  	_ =	task.clear_ibuf [dreg:s6], $0x2FFFF;
	_ =	strace $0x9FFFFFFF  }
0xc1: {  	(tm) =	ssettm $0x7FFFFFFF  }
tec
execute0_lowered:
.L_overlay_start_1:
0x0: {  	(tag) =	ssettag $0x1  }
0x1: {  	s0 =	srdreg.scid  }
0x2: {  	s10 =	rddreg [dreg:$0x0];
	s13 =	sand.u32 $0x1, s0  }
0x3: {  	s1 =	stileid.u32;
	s2 =	simm.s32 $0x0;
	s3 =	sshll.u32 s13, $0x6  }
0x4: {  	s0 =	rddreg [dreg:$0x1];
	s4 =	sshll.u32 s1, $0x7;
	s3 =	sadd.s32 s3, s10  }
0x5: {  	[smem:$0x7FF] =	sst s2;
	s3 =	sadd.s32 s4, s3  }
0x6: {  	_ =	strace $0x80000047;
	s4 =	sadd.s32 $0x5600, s3;
	s3 =	simm.s32 $0x2  }
0x7: {  	[tilespmem:s2], [sflag:$0x2] =	stream.linear.gather [hbm4b:s4+s2], $0x200, $0x38;
	[tilespmem:$0x8200] =	vst v63  }
0x8: {  	_ =	swait.ge [sflag:s3], $0x200  }
0x9: {  	s6 =	simm.s32 $0x80;
	[sflag:s3] =	ssyncset.done $0x0  }
0xa: {  	s7 =	simm.s32 $0x200;
	s5 =	sadd.s32 $0x18D000, s10;
	[sflag:s3] =	ssyncadd.s32 $0xFFFFFE00  }
0xb: {  	[tilespmem:s7], [sflag:$0x1] =	stream.indirect.gather [hbm4b:s5+s6], $0x80, s2, s6, $0xb8;
	[tilespmem:$0x8200] =	vst v63  }
0xc: {  	s8 =	simm.s32 $0x4200;
	s9 =	simm.s32 $0x1  }
0xd: {  	[tilespmem:s8], [sflag:$0x1] =	stream.indirect.gather [hbm4b:s5+s6], $0x80, s6, s6, $0xb8;
	[tilespmem:$0x8200] =	vst v63  }
0xe: {  	_ =	swait.ge [sflag:s9], $0x4000  }
0xf: {  	[sflag:s9] =	ssyncset.done $0x0  }
0x10: {  	s11 =	sshll.u32 s1, $0xE;
	s12 =	sshll.u32 s13, $0xD;
	[sflag:s9] =	ssyncadd.s32 $0xFFFFC000  }
0x11: {  	s11 =	sor.u32 s12, s11;
	_ =	swait.ge [sflag:s9], $0x4000  }
0x12: {  	s14 =	sadd.s32 s11, s10;
	[sflag:s9] =	ssyncset.done $0x0  }
0x13: {  	s10 =	sadd.s32 $0x6600, s14;
	[sflag:s9] =	ssyncadd.s32 $0xFFFFC000  }
0x14: {  	[hbm4b:s10+s2] =	stream.linear.scatter [tilespmem:s7], [sflag:$0x2], $0x8000, $0x38;
	[tilespmem:$0x8200] =	vst v63  }
0x15: {  	_ =	swait.ge [sflag:s3], $0x8000  }
0x16: {  	[sflag:s3] =	ssyncset.done $0x0  }
0x17: {  	s11 =	simm.s32 $0x100;
	[sflag:s3] =	ssyncadd.s32 $0xFFFF8000  }
0x18: {  	[tilespmem:s7], [sflag:$0x1] =	stream.indirect.gather [hbm4b:s5+s6], $0x80, s11, s6, $0xb8;
	[tilespmem:$0x8200] =	vst v63  }
0x19: {  	s13 =	ssub.s32 $0x2, s13;
	s12 =	simm.s32 $0x180  }
0x1a: {  	[tilespmem:s8], [sflag:$0x1] =	stream.indirect.gather [hbm4b:s5+s6], $0x80, s12, s6, $0xb8;
	[tilespmem:$0x8200] =	vst v63  }
0x1b: {  	s15 =	sshrl.u32 s13, $0x1;
	_ =	swait.ge [sflag:s9], $0x4000  }
0x1c: {  	s15 =	ssub.s32 s13, s15;
	[sflag:s9] =	ssyncset.done $0x0  }
0x1d: {  	s31 =	smax.u32 s15, $0x1;
	[sflag:s9] =	ssyncadd.s32 $0xFFFFC000  }
0x1e: {  	p0 =	sne.s32 s31, $0x1;
	_ =	swait.ge [sflag:s9], $0x4000  }
.Ltmp0:
0x1f: {  	[sflag:s9] =	ssyncset.done $0x0;
	(pc) =	sbr.rel @!p0 .LBB2_2-.Ltmp0, $4  }
0x20: {  	s13 =	sadd.s32 $0x7600, s14;
	[sflag:s9] =	ssyncadd.s32 $0xFFFFC000  }
0x21: {  	[hbm4b:s13+s2] =	stream.linear.scatter [tilespmem:s7], [sflag:$0x2], $0x8000, $0x38;
	[tilespmem:$0x8200] =	vst v63  }
0x22: {  	_ =	swait.ge [sflag:s3], $0x8000  }
0x23: {  	s14 =	sadd.s32 $0xFFFFFFFF, s31;
	[sflag:s3] =	ssyncset.done $0x0  }
.LBB2_1:
0x24: {  	p0 =	sne.s32 s14, $0x1;
	s14 =	sadd.s32 $0xFFFFFFFF, s14;
	[sflag:s3] =	ssyncadd.s32 $0xFFFF8000  }
0x25: {  	[tilespmem:s2], [sflag:$0x2] =	stream.linear.gather [hbm4b:s4+s2], $0x200, $0x38;
	[tilespmem:$0x8200] =	vst v63  }
0x26: {  	_ =	swait.ge [sflag:s3], $0x200  }
0x27: {  	[sflag:s3] =	ssyncset.done $0x0  }
0x28: {  	[sflag:s3] =	ssyncadd.s32 $0xFFFFFE00  }
0x29: {  	[tilespmem:s7], [sflag:$0x1] =	stream.indirect.gather [hbm4b:s5+s6], $0x80, s2, s6, $0xb8;
	[tilespmem:$0x8200] =	vst v63  }
0x2a: {  	_ = 	snop  }
0x2b: {  	[tilespmem:s8], [sflag:$0x1] =	stream.indirect.gather [hbm4b:s5+s6], $0x80, s6, s6, $0xb8;
	[tilespmem:$0x8200] =	vst v63  }
0x2c: {  	_ =	swait.ge [sflag:s9], $0x4000  }
0x2d: {  	[sflag:s9] =	ssyncset.done $0x0  }
0x2e: {  	[sflag:s9] =	ssyncadd.s32 $0xFFFFC000  }
0x2f: {  	_ =	swait.ge [sflag:s9], $0x4000  }
0x30: {  	[sflag:s9] =	ssyncset.done $0x0  }
0x31: {  	[sflag:s9] =	ssyncadd.s32 $0xFFFFC000  }
0x32: {  	[hbm4b:s10+s2] =	stream.linear.scatter [tilespmem:s7], [sflag:$0x2], $0x8000, $0x38;
	[tilespmem:$0x8200] =	vst v63  }
0x33: {  	_ =	swait.ge [sflag:s3], $0x8000  }
0x34: {  	[sflag:s3] =	ssyncset.done $0x0  }
0x35: {  	[sflag:s3] =	ssyncadd.s32 $0xFFFF8000  }
0x36: {  	[tilespmem:s7], [sflag:$0x1] =	stream.indirect.gather [hbm4b:s5+s6], $0x80, s11, s6, $0xb8;
	[tilespmem:$0x8200] =	vst v63  }
0x37: {  	_ = 	snop  }
0x38: {  	[tilespmem:s8], [sflag:$0x1] =	stream.indirect.gather [hbm4b:s5+s6], $0x80, s12, s6, $0xb8;
	[tilespmem:$0x8200] =	vst v63  }
0x39: {  	_ =	swait.ge [sflag:s9], $0x4000  }
0x3a: {  	[sflag:s9] =	ssyncset.done $0x0  }
0x3b: {  	[sflag:s9] =	ssyncadd.s32 $0xFFFFC000  }
0x3c: {  	_ =	swait.ge [sflag:s9], $0x4000  }
.Ltmp1:
0x3d: {  	[sflag:s9] =	ssyncset.done $0x0;
	(pc) =	sbr.rel @p0 .LBB2_1-.Ltmp1, $4  }
0x3e: {  	[sflag:s9] =	ssyncadd.s32 $0xFFFFC000  }
0x3f: {  	[hbm4b:s13+s2] =	stream.linear.scatter [tilespmem:s7], [sflag:$0x2], $0x8000, $0x38;
	[tilespmem:$0x8200] =	vst v63  }
0x40: {  	_ =	swait.ge [sflag:s3], $0x8000  }
0x41: {  	[sflag:s3] =	ssyncset.done $0x0  }
.LBB2_2:
0x42: {  	[sflag:s3] =	ssyncadd.s32 $0xFFFF8000  }
0x43: {  	_ =	sfence.sel $0x180000  }
0x44: {  	[bflag:$0x0] =	sbarrier.arrive $0xFFFF  }
0x45: {  	p0 =	sne.s32 s1, $0x0;
	_ =	strace $0x90000047  }
0x46: {  	s0 =	sadd.s32 @!p0 $0x100000, s0;
	[bflag:$0x2] =	sbarrier.arrive $0xFFFF  }
0x47: {  	[sflag:s0] =	ssyncadd.tile.s32 @!p0 $0x1;
	_ =	shalt  }
.Lfunc_end2:
_tile_overlayer_lowered:
.L_overlay_start_2:
0x48: {  	(tag) =	ssettag $0x2  }
0x49: {  	s0 =	rddreg [dreg:$0x0];
	s2 =	stileid.u32  }
0x4a: {  	s1 =	rddreg [dreg:$0x1];
	p0 =	sne.s32 s2, $0x0  }
0x4b: {  	s3 =	rddreg [dreg:$0x2];
	[bflag:$0x3] =	sbarrier.arrive $0xFFFF;
	s2 =	simm.s32 @!p0 $0x1C02  }
0x4c: {  	[timem:s3], [sflag:s2] =	dma.local @!p0 [hbm:s0], s1  }
0x4d: {  	s0 =	simm.s32 @!p0 $0x2  }
0x4e: {  	_ =	swait.ge @!p0 [sflag:s0], s1  }
0x4f: {  	s1 =	ssub.s32 @!p0 $0x0, s1;
	[sflag:s0] =	ssyncset.done @!p0 $0x0  }
0x50: {  	[sflag:s0] =	ssyncadd.s32 @!p0 s1  }
0x51: {  	[bflag:$0x3] =	sbarrier.arrive $0xFFFF  }
0x52: {  	_ =	shalt  }

// kernel: kernel.6.cloned.1.call-start
scs
__scs_entry_jumppad:
0x0: {  	(pc) =	sbr.rel $0x88, $3  }
0x1: {  	(tag) =	ssettag $0x0;
	lr =	simm.s32 $0x1  }
0x2: {  	[smem:$0x3F99] =	sst lr;
	_ =	strace $0xD0000000  }
0x3: {  	_ = 	snop  }
0x4: {  	_ = 	snop  }
0x5: {  	_ = 	snop  }
0x6: {  	_ = 	snop  }
0x7: {  	_ = 	snop  }
__scs_overlays_trampoline_lowered:
0x8: {  	[smem:$0x3FA8] =	sst s0  }
0x9: {  	[smem:$0x3FA9] =	sst s1  }
0xa: {  	[smem:$0x3FAA] =	sst s2  }
0xb: {  	[smem:$0x3FAB] =	sst s3  }
0xc: {  	[smem:$0x3FAC] =	sst s4  }
0xd: {  	[smem:$0x3FAD] =	sst s5  }
0xe: {  	[smem:$0x3FAE] =	sst s6  }
0xf: {  	[smem:$0x3FAF] =	sst s7  }
0x10: {  	[smem:$0x3FB0] =	sst s8  }
0x11: {  	[smem:$0x3FB1] =	sst s9;
	s0 =	simm.s32 @!p0 $0x0  }
0x12: {  	s1 =	sld [smem:$0x3F97];
	s0 =	simm.s32 @p0 $0x1  }
0x13: {  	[smem:$0x3FB2] =	sst s0;
	s0 =	simm.s32 @!p1 $0x0  }
0x14: {  	s2 =	sld [smem:$0x3F96];
	s0 =	simm.s32 @p1 $0x1  }
0x15: {  	[smem:$0x3FB3] =	sst s0;
	s0 =	simm.s32 @!p2 $0x0  }
0x16: {  	s3 =	sld [smem:$0x3FDB];
	s0 =	simm.s32 @p2 $0x1  }
0x17: {  	s4 =	simm.s32 $0x1BF5;
	[smem:$0x3FB5] =	sst s0  }
0x18: {  	s0 =	sld [smem:$0x3F98];
	_ =	swait.ge [sflag:s4], $0x0  }
0x19: {  	s7 =	sld [smem:$0x3F99]  }
0x1a: {  	s8 =	sadd.s32 $0xFFFFE003, lr  }
0x1b: {  	s9 =	sadd.s32 $0xFFFFFEF7, lr;
	s5 =	simm.s32 $0xFFFFFFFF;
	p2 =	slt.u32 s8, $0xFFFFF086  }
0x1c: {  	p1 =	slt.u32 s9, $0xF7A;
	s5 =	simm.s32 @!p2 $0x0  }
0x1d: {  	s5 =	simm.s32 @p1 $0x1;
	p0 =	seq.s32 s7, s2  }
0x1e: {  	s7 =	smul.u32 @!p0 $0xF7A, s2;
	p2 =	seq.s32 @!p0 s5, $0x0  }
0x1f: {  	s9 =	smul.u32 $0xF7A, s1;
	s8 =	simm.s32 @!p0 $0x1BF5;
	p2 =	por !p2, p0  }
0x20: {  	[sflag:s8] =	ssyncset.s32 @!p0 $0xFFFFF086;
	s6 =	sadd.s32 @!p0 s3, s7;
	s7 =	simm.s32 @!p0 $0x108  }
0x21: {  	s3 =	sadd.s32 s3, s9;
	s6 =	sadd.s32 @!p0 $0x88, s6;
	s7 =	simm.s32 @p2 $0x1082  }
0x22: {  	[simem:s7], [sflag:s8] =	dma.local @!p0 [hbm:s6], $0xF7A  }
0x23: {  	s9 =	sor.u32 $0xD0000000, s2;
	s6 =	simm.s32 $0x108;
	_ =	swait.ge @!p0 [sflag:s8], $0x0  }
0x24: {  	s3 =	sadd.s32 $0x88, s3;
	s6 =	simm.s32 @!p1 $0x1082;
	[sflag:s4] =	ssyncset.s32 $0xFFFFF086  }
0x25: {  	[simem:s6], [sflag:s4] =	dma.local [hbm:s3], $0xF7A  }
0x26: {  	[smem:$0x3F99] =	sst s1;
	(tag) =	ssettag s2;
	_ =	strace s9  }
0x27: {  	s1 =	sld [smem:$0x3FA9]  }
0x28: {  	s2 =	sld [smem:$0x3FAA]  }
0x29: {  	s4 =	sld [smem:$0x3FAC]  }
0x2a: {  	p0 =	seq.s32 s5, $0x0;
	s5 =	sld [smem:$0x3FAD]  }
0x2b: {  	s6 =	sld [smem:$0x3FAE]  }
0x2c: {  	s7 =	sld [smem:$0x3FAF]  }
0x2d: {  	s3 =	simm.s32 $0x108;
	s8 =	sld [smem:$0x3FB0]  }
0x2e: {  	s3 =	simm.s32 @!p0 $0x1082;
	s9 =	sld [smem:$0x3FB1]  }
0x2f: {  	lr =	sadd.s32 s0, s3;
	s0 =	sld [smem:$0x3FA8]  }
0x30: {  	s3 =	sld [smem:$0x3FAB]  }
0x31: {  	[smem:$0x3FB4] =	sst s10  }
0x32: {  	s10 =	sld [smem:$0x3FB2];
	_ =	sdelay $0x3  }
0x33: {  	p0 =	seq.s32 s10, $0x1;
	s10 =	sld [smem:$0x3FB4];
	_ =	sdelay $0x3  }
0x34: {  	[smem:$0x3FB4] =	sst s10  }
0x35: {  	s10 =	sld [smem:$0x3FB3];
	_ =	sdelay $0x3  }
0x36: {  	p1 =	seq.s32 s10, $0x1;
	s10 =	sld [smem:$0x3FB4];
	_ =	sdelay $0x3  }
0x37: {  	[smem:$0x3FB4] =	sst s10  }
0x38: {  	s10 =	sld [smem:$0x3FB5]  }
0x39: {  	_ = 	snop;
	(pc) =	sbr.ind lr, $3  }
0x3a: {  	_ = 	snop  }
0x3b: {  	_ = 	snop  }
0x3c: {  	p2 =	seq.s32 s10, $0x1;
	s10 =	sld [smem:$0x3FB4]  }
0x3d: {  	_ =	shalt  }
0x3e: {  	_ =	shalt  }
0x3f: {  	_ =	shalt  }
0x40: {  	_ =	shalt  }
0x41: {  	_ =	shalt  }
0x42: {  	_ =	shalt  }
0x43: {  	_ =	shalt  }
0x44: {  	_ =	shalt  }
0x45: {  	_ =	shalt  }
0x46: {  	_ =	shalt  }
0x47: {  	_ =	shalt  }
0x48: {  	_ =	shalt  }
0x49: {  	_ =	shalt  }
0x4a: {  	_ =	shalt  }
0x4b: {  	_ =	shalt  }
0x4c: {  	_ =	shalt  }
0x4d: {  	_ =	shalt  }
0x4e: {  	_ =	shalt  }
0x4f: {  	_ =	shalt  }
0x50: {  	_ =	shalt  }
0x51: {  	_ =	shalt  }
0x52: {  	_ =	shalt  }
0x53: {  	_ =	shalt  }
0x54: {  	_ =	shalt  }
0x55: {  	_ =	shalt  }
0x56: {  	_ =	shalt  }
0x57: {  	_ =	shalt  }
0x58: {  	_ =	shalt  }
0x59: {  	_ =	shalt  }
0x5a: {  	_ =	shalt  }
0x5b: {  	_ =	shalt  }
0x5c: {  	_ =	shalt  }
0x5d: {  	_ =	shalt  }
0x5e: {  	_ =	shalt  }
0x5f: {  	_ =	shalt  }
0x60: {  	_ =	shalt  }
0x61: {  	_ =	shalt  }
0x62: {  	_ =	shalt  }
0x63: {  	_ =	shalt  }
0x64: {  	_ =	shalt  }
0x65: {  	_ =	shalt  }
0x66: {  	_ =	shalt  }
0x67: {  	_ =	shalt  }
0x68: {  	_ =	shalt  }
0x69: {  	_ =	shalt  }
0x6a: {  	_ =	shalt  }
0x6b: {  	_ =	shalt  }
0x6c: {  	_ =	shalt  }
0x6d: {  	_ =	shalt  }
0x6e: {  	_ =	shalt  }
0x6f: {  	_ =	shalt  }
0x70: {  	_ =	shalt  }
0x71: {  	_ =	shalt  }
0x72: {  	_ =	shalt  }
0x73: {  	_ =	shalt  }
0x74: {  	_ =	shalt  }
0x75: {  	_ =	shalt  }
0x76: {  	_ =	shalt  }
0x77: {  	_ =	shalt  }
0x78: {  	_ =	shalt  }
0x79: {  	_ =	shalt  }
0x7a: {  	_ =	shalt  }
0x7b: {  	_ =	shalt  }
0x7c: {  	_ =	shalt  }
0x7d: {  	_ =	shalt  }
0x7e: {  	_ =	shalt  }
0x7f: {  	_ =	shalt  }
0x80: {  	_ =	shalt  }
0x81: {  	_ =	shalt  }
0x82: {  	_ =	shalt  }
0x83: {  	_ =	shalt  }
0x84: {  	_ =	shalt  }
0x85: {  	_ =	shalt  }
0x86: {  	_ =	shalt  }
0x87: {  	_ =	shalt  }
.Lfunc_end0:
.L_simem_size_0:
called_computation_lowered:
.L_overlay_start_0:
0x88: {  	s2 =	sld [smem:$0x3FD9]  }
0x89: {  	s3 =	sld [smem:$0x3FFE];
	_ =	sdelay $0x1  }
0x8a: {  	s1 =	srdreg.scid  }
0x8b: {  	s0 =	sand.u32 $0x1, s1  }
0x8c: {  	s17 =	sshll.u32 s0, $0xA;
	s2 =	sadd.s32 s3, s2  }
0x8d: {  	s2 =	sadd.s32 s2, s17  }
0x8e: {  	[smem:$0x3FC0] =	sst s2  }
0x8f: {  	_ = 	snop  }
0x90: {  	s18 =	sld [smem:$0x3FD0];
	(tm) =	ssettm $0x1  }
0x91: {  	s19 =	sld [smem:$0x3FFB];
	_ =	sdelay $0x3  }
0x92: {  	_ =	strace s19  }
0x93: {  	s2 =	sld [smem:$0x3FFC];
	_ =	sdelay $0x3  }
0x94: {  	_ =	strace s2  }
0x95: {  	s2 =	sld [smem:$0x3FFD];
	_ =	sdelay $0x3  }
0x96: {  	_ =	strace s2  }
0x97: {  	_ =	strace $0x8FFFFFFF  }
0x98: {  	s20 =	sld [smem:$0x3FDB];
	_ =	sdelay $0x1  }
0x99: {  	s4 =	simm.s32 $_scs_section_size  }
0x9a: {  	s5 =	simm.s32 $_size__tile_overlayer_lowered;
	s6 =	simm.s32 $_tile_overlayer_lowered  }
0x9b: {  	s7 =	simm.s32 $0x1BFF;
	s21 =	sshll.u32 s6, $0x1;
	s4 =	sadd.s32 s4, s20  }
0x9c: {  	s22 =	simm.s32 $0x0;
	s5 =	sshll.u32 s5, $0x1;
	s6 =	sadd.s32 s21, s4  }
0x9d: {  	[timem:s22], [sflag:s7] =	dma.local [hbm:s6], s5  }
0x9e: {  	_ =	swait.ge [sflag:s7], s5  }
0x9f: {  	s5 =	ssub.s32 $0x0, s5;
	[sflag:s7] =	ssyncset.done $0x0  }
0xa0: {  	[sflag:s7] =	ssyncadd.s32 s5;
	_ =	sdelay $0x1  }
0xa1: {  	s23 =	simm.s32 $0x1B8B  }
0xa2: {  	_ =	swait.ge [sflag:s23], $0x1  }
0xa3: {  	[sflag:s23] =	ssyncset.done $0x0  }
0xa4: {  	[sflag:s23] =	ssyncadd.s32 $0xFFFFFFFF  }
0xa5: {  	s5 =	sld [smem:$0x0]  }
0xa6: {  	s6 =	sand.u32 $0xFFFFFFFE, s1  }
0xa7: {  	p0 =	sne.s32 s1, s6  }
0xa8: {  	s6 =	sshll.u32 @p0 s6, $0xE  }
0xa9: {  	s6 =	sadd.s32 @p0 $0x11B8D, s6;
	s7 =	sshll.u32 @p0 s5, $0x11  }
0xaa: {  	s6 =	sor.u32 @p0 s7, s6  }
0xab: {  	[sflag:s6] =	ssyncadd.remote.s32 @p0 $0x1;
	_ =	sdelay $0x1  }
0xac: {  	s6 =	simm.s32 @p0 $0x1B8D  }
0xad: {  	_ =	swait.eq @p0 [sflag:s6], $0x1  }
0xae: {  	[sflag:s6] =	ssyncadd.s32 @p0 $0xFFFFFFFF  }
0xaf: {  	s7 =	sshll.u32 @!p0 s1, $0xE  }
0xb0: {  	s7 =	sor.u32 @!p0 $0x4000, s7;
	s6 =	simm.s32 @!p0 $0x1B8D  }
0xb1: {  	s5 =	sshll.u32 @!p0 s5, $0x11;
	s7 =	sadd.s32 @!p0 $0x11B8D, s7;
	_ =	swait.eq @!p0 [sflag:s6], $0x1  }
0xb2: {  	s5 =	sor.u32 @!p0 s5, s7;
	[sflag:s6] =	ssyncadd.s32 @!p0 $0xFFFFFFFF  }
0xb3: {  	s25 =	simm.s32 $0x1B8E;
	s24 =	sld [smem:$0x3FFE];
	[sflag:s5] =	ssyncadd.remote.s32 @!p0 $0x1  }
0xb4: {  	s26 =	simm.s32 $execute0_lowered;
	[smem:$0x3FD2] =	sst s25  }
0xb5: {  	s6 =	sshll.u32 s26, $0x1;
	_ =	strace $0x8000004C;
	[dreg:$0x1] =	wrdreg $0xFFFFFFFF  }
0xb6: {  	s28 =	simm.s32 $_size_execute0_lowered;
	s4 =	sadd.s32 s4, s6;
	[dreg:$0x0] =	wrdreg $0x0  }
0xb7: {  	s6 =	sshll.u32 s28, $0x1;
	[dreg:$0x2] =	wrdreg s4  }
0xb8: {  	[dreg:$0x3] =	wrdreg s6  }
0xb9: {  	[dreg:$0x4] =	wrdreg $0xC0  }
0xba: {  	_ =	task [dreg:s22], $0x5FFFF  }
0xbb: {  	[dreg:$0x1] =	wrdreg $0xFFFFFFFF  }
0xbc: {  	[dreg:$0x0] =	wrdreg $0x60  }
0xbd: {  	[dreg:$0x2] =	wrdreg s24  }
0xbe: {  	[dreg:$0x3] =	wrdreg s18  }
0xbf: {  	[dreg:$0x4] =	wrdreg $0x9  }
0xc0: {  	_ =	task.clear_ibuf [dreg:s22], $0x5FFFF;
	_ =	strace $0x9000004C  }
0xc1: {  	s29 =	simm.s32 $0x9;
	_ =	strace $0x8000004E  }
0xc2: {  	_ =	swait.ge [sflag:s29], $0x1  }
0xc3: {  	[sflag:s29] =	ssyncadd.s32 $0xFFFFFFFF  }
0xc4: {  	_ =	strace $0x9000004E  }
0xc5: {  	_ =	sfence  }
0xc6: {  	s30 =	sld [smem:$0x0];
	_ =	sdelay $0x2  }
0xc7: {  	s31 =	sshll.u32 s1, $0xD;
	s1 =	sshrl.u32 s1, $0x2  }
0xc8: {  	s4 =	sand.u32 $0x4000, s31;
	s1 =	sadd.s32 s1, s30  }
0xc9: {  	s0 =	sor.u32 s4, s0;
	s1 =	sshll.u32 s1, $0x11  }
0xca: {  	s0 =	sor.u32 s1, s0  }
0xcb: {  	s0 =	sadd.s32 $0x8F2B, s0  }
0xcc: {  	[sflag:s0] =	ssyncadd.remote.s32 $0x1  }
0xcd: {  	_ =	sfence.sel $0xFFFF  }
0xce: {  	[dreg:$0x0] =	wrdreg $0xFFFFFFFF;
	(pc) =	sbr.abs _section_cstart, $3  }
0xcf: {  	[dreg:$0x1] =	wrdreg $0xFFFFFFFF  }
0xd0: {  	_ =	task.clear_ibuf [dreg:s22], $0x2FFFF;
	_ =	strace $0x9FFFFFFF  }
0xd1: {  	(tm) =	ssettm $0x7FFFFFFF  }
tec
execute0_lowered:
.L_overlay_start_1:
0x0: {  	(tag) =	ssettag $0x1  }
0x1: {  	s5 =	rddreg [dreg:$0x0];
	s0 =	srdreg.scid  }
0x2: {  	s10 =	rddreg [dreg:$0x1];
	s13 =	sand.u32 $0x1, s0  }
0x3: {  	s1 =	stileid.u32;
	s2 =	simm.s32 $0x0;
	s3 =	sshll.u32 s13, $0x6  }
0x4: {  	s0 =	rddreg [dreg:$0x2];
	s4 =	sshll.u32 s1, $0x7;
	s3 =	sadd.s32 s3, s5  }
0x5: {  	[smem:$0x7FF] =	sst s2;
	s3 =	sadd.s32 s4, s3  }
0x6: {  	_ =	strace $0x8000004D;
	s4 =	sadd.s32 $0x149C00, s3;
	s3 =	simm.s32 $0x2  }
0x7: {  	[tilespmem:s2], [sflag:$0x2] =	stream.linear.gather [hbm4b:s4+s2], $0x200, $0x38;
	[tilespmem:$0x8200] =	vst v63  }
0x8: {  	_ =	swait.ge [sflag:s3], $0x200  }
0x9: {  	s6 =	simm.s32 $0x80;
	[sflag:s3] =	ssyncset.done $0x0  }
0xa: {  	s7 =	simm.s32 $0x200;
	s5 =	sadd.s32 $0x3D7000, s5;
	[sflag:s3] =	ssyncadd.s32 $0xFFFFFE00  }
0xb: {  	[tilespmem:s7], [sflag:$0x1] =	stream.indirect.gather [hbm4b:s5+s6], $0x80, s2, s6, $0xb8;
	[tilespmem:$0x8200] =	vst v63  }
0xc: {  	s8 =	simm.s32 $0x4200;
	s9 =	simm.s32 $0x1  }
0xd: {  	[tilespmem:s8], [sflag:$0x1] =	stream.indirect.gather [hbm4b:s5+s6], $0x80, s6, s6, $0xb8;
	[tilespmem:$0x8200] =	vst v63  }
0xe: {  	_ =	swait.ge [sflag:s9], $0x4000  }
0xf: {  	[sflag:s9] =	ssyncset.done $0x0  }
0x10: {  	[sflag:s9] =	ssyncadd.s32 $0xFFFFC000  }
0x11: {  	s11 =	sshll.u32 s1, $0xE;
	s12 =	sshll.u32 s13, $0xD;
	_ =	swait.ge [sflag:s9], $0x4000  }
0x12: {  	s11 =	sor.u32 s12, s11;
	[sflag:s9] =	ssyncset.done $0x0  }
0x13: {  	s10 =	sadd.s32 s10, s11;
	[sflag:s9] =	ssyncadd.s32 $0xFFFFC000  }
0x14: {  	[hbm4b:s10+s2] =	stream.linear.scatter [tilespmem:s7], [sflag:$0x2], $0x8000, $0x38;
	[tilespmem:$0x8200] =	vst v63  }
0x15: {  	_ =	swait.ge [sflag:s3], $0x8000  }
0x16: {  	[sflag:s3] =	ssyncset.done $0x0  }
0x17: {  	s11 =	simm.s32 $0x100;
	[sflag:s3] =	ssyncadd.s32 $0xFFFF8000  }
0x18: {  	[tilespmem:s7], [sflag:$0x1] =	stream.indirect.gather [hbm4b:s5+s6], $0x80, s11, s6, $0xb8;
	[tilespmem:$0x8200] =	vst v63  }
0x19: {  	s13 =	ssub.s32 $0x2, s13;
	s12 =	simm.s32 $0x180  }
0x1a: {  	[tilespmem:s8], [sflag:$0x1] =	stream.indirect.gather [hbm4b:s5+s6], $0x80, s12, s6, $0xb8;
	[tilespmem:$0x8200] =	vst v63  }
0x1b: {  	s14 =	sshrl.u32 s13, $0x1;
	_ =	swait.ge [sflag:s9], $0x4000  }
0x1c: {  	s14 =	ssub.s32 s13, s14;
	[sflag:s9] =	ssyncset.done $0x0  }
0x1d: {  	s14 =	smax.u32 s14, $0x1;
	[sflag:s9] =	ssyncadd.s32 $0xFFFFC000  }
0x1e: {  	p0 =	sne.s32 s14, $0x1;
	_ =	swait.ge [sflag:s9], $0x4000  }
.Ltmp0:
0x1f: {  	[sflag:s9] =	ssyncset.done $0x0;
	(pc) =	sbr.rel @!p0 .LBB2_2-.Ltmp0, $4  }
0x20: {  	s13 =	sadd.s32 $0x1000, s10;
	[sflag:s9] =	ssyncadd.s32 $0xFFFFC000  }
0x21: {  	[hbm4b:s13+s2] =	stream.linear.scatter [tilespmem:s7], [sflag:$0x2], $0x8000, $0x38;
	[tilespmem:$0x8200] =	vst v63  }
0x22: {  	_ =	swait.ge [sflag:s3], $0x8000  }
0x23: {  	s14 =	sadd.s32 $0xFFFFFFFF, s14;
	[sflag:s3] =	ssyncset.done $0x0  }
.LBB2_1:
0x24: {  	p0 =	sne.s32 s14, $0x1;
	s14 =	sadd.s32 $0xFFFFFFFF, s14;
	[sflag:s3] =	ssyncadd.s32 $0xFFFF8000  }
0x25: {  	[tilespmem:s2], [sflag:$0x2] =	stream.linear.gather [hbm4b:s4+s2], $0x200, $0x38;
	[tilespmem:$0x8200] =	vst v63  }
0x26: {  	_ =	swait.ge [sflag:s3], $0x200  }
0x27: {  	[sflag:s3] =	ssyncset.done $0x0  }
0x28: {  	[sflag:s3] =	ssyncadd.s32 $0xFFFFFE00  }
0x29: {  	[tilespmem:s7], [sflag:$0x1] =	stream.indirect.gather [hbm4b:s5+s6], $0x80, s2, s6, $0xb8;
	[tilespmem:$0x8200] =	vst v63  }
0x2a: {  	_ = 	snop  }
0x2b: {  	[tilespmem:s8], [sflag:$0x1] =	stream.indirect.gather [hbm4b:s5+s6], $0x80, s6, s6, $0xb8;
	[tilespmem:$0x8200] =	vst v63  }
0x2c: {  	_ =	swait.ge [sflag:s9], $0x4000  }
0x2d: {  	[sflag:s9] =	ssyncset.done $0x0  }
0x2e: {  	[sflag:s9] =	ssyncadd.s32 $0xFFFFC000  }
0x2f: {  	_ =	swait.ge [sflag:s9], $0x4000  }
0x30: {  	[sflag:s9] =	ssyncset.done $0x0  }
0x31: {  	[sflag:s9] =	ssyncadd.s32 $0xFFFFC000  }
0x32: {  	[hbm4b:s10+s2] =	stream.linear.scatter [tilespmem:s7], [sflag:$0x2], $0x8000, $0x38;
	[tilespmem:$0x8200] =	vst v63  }
0x33: {  	_ =	swait.ge [sflag:s3], $0x8000  }
0x34: {  	[sflag:s3] =	ssyncset.done $0x0  }
0x35: {  	[sflag:s3] =	ssyncadd.s32 $0xFFFF8000  }
0x36: {  	[tilespmem:s7], [sflag:$0x1] =	stream.indirect.gather [hbm4b:s5+s6], $0x80, s11, s6, $0xb8;
	[tilespmem:$0x8200] =	vst v63  }
0x37: {  	_ = 	snop  }
0x38: {  	[tilespmem:s8], [sflag:$0x1] =	stream.indirect.gather [hbm4b:s5+s6], $0x80, s12, s6, $0xb8;
	[tilespmem:$0x8200] =	vst v63  }
0x39: {  	_ =	swait.ge [sflag:s9], $0x4000  }
0x3a: {  	[sflag:s9] =	ssyncset.done $0x0  }
0x3b: {  	[sflag:s9] =	ssyncadd.s32 $0xFFFFC000  }
0x3c: {  	_ =	swait.ge [sflag:s9], $0x4000  }
.Ltmp1:
0x3d: {  	[sflag:s9] =	ssyncset.done $0x0;
	(pc) =	sbr.rel @p0 .LBB2_1-.Ltmp1, $4  }
0x3e: {  	[sflag:s9] =	ssyncadd.s32 $0xFFFFC000  }
0x3f: {  	[hbm4b:s13+s2] =	stream.linear.scatter [tilespmem:s7], [sflag:$0x2], $0x8000, $0x38;
	[tilespmem:$0x8200] =	vst v63  }
0x40: {  	_ =	swait.ge [sflag:s3], $0x8000  }
0x41: {  	[sflag:s3] =	ssyncset.done $0x0  }
.LBB2_2:
0x42: {  	[sflag:s3] =	ssyncadd.s32 $0xFFFF8000  }
0x43: {  	_ =	sfence.sel $0x180000  }
0x44: {  	[bflag:$0x0] =	sbarrier.arrive $0xFFFF  }
0x45: {  	p0 =	sne.s32 s1, $0x0;
	_ =	strace $0x9000004D  }
0x46: {  	s0 =	sadd.s32 @!p0 $0x100000, s0;
	[bflag:$0x2] =	sbarrier.arrive $0xFFFF  }
0x47: {  	[sflag:s0] =	ssyncadd.tile.s32 @!p0 $0x1;
	_ =	shalt  }
.Lfunc_end2:
_tile_overlayer_lowered:
.L_overlay_start_2:
0x48: {  	(tag) =	ssettag $0x2  }
0x49: {  	s0 =	rddreg [dreg:$0x0];
	s2 =	stileid.u32  }
0x4a: {  	s1 =	rddreg [dreg:$0x1];
	p0 =	sne.s32 s2, $0x0  }
0x4b: {  	s3 =	rddreg [dreg:$0x2];
	[bflag:$0x3] =	sbarrier.arrive $0xFFFF;
	s2 =	simm.s32 @!p0 $0x1C02  }
0x4c: {  	[timem:s3], [sflag:s2] =	dma.local @!p0 [hbm:s0], s1  }
0x4d: {  	s0 =	simm.s32 @!p0 $0x2  }
0x4e: {  	_ =	swait.ge @!p0 [sflag:s0], s1  }
0x4f: {  	s1 =	ssub.s32 @!p0 $0x0, s1;
	[sflag:s0] =	ssyncset.done @!p0 $0x0  }
0x50: {  	[sflag:s0] =	ssyncadd.s32 @!p0 s1  }
0x51: {  	[bflag:$0x3] =	sbarrier.arrive $0xFFFF  }
0x52: {  	_ =	shalt  }

// kernel: kernel.9.cloned.1.call-start
scs
__scs_entry_jumppad:
0x0: {  	(pc) =	sbr.rel $0x88, $3  }
0x1: {  	(tag) =	ssettag $0x0;
	lr =	simm.s32 $0x1  }
0x2: {  	[smem:$0x3F99] =	sst lr;
	_ =	strace $0xD0000000  }
0x3: {  	_ = 	snop  }
0x4: {  	_ = 	snop  }
0x5: {  	_ = 	snop  }
0x6: {  	_ = 	snop  }
0x7: {  	_ = 	snop  }
__scs_overlays_trampoline_lowered:
0x8: {  	[smem:$0x3FA8] =	sst s0  }
0x9: {  	[smem:$0x3FA9] =	sst s1  }
0xa: {  	[smem:$0x3FAA] =	sst s2  }
0xb: {  	[smem:$0x3FAB] =	sst s3  }
0xc: {  	[smem:$0x3FAC] =	sst s4  }
0xd: {  	[smem:$0x3FAD] =	sst s5  }
0xe: {  	[smem:$0x3FAE] =	sst s6  }
0xf: {  	[smem:$0x3FAF] =	sst s7  }
0x10: {  	[smem:$0x3FB0] =	sst s8  }
0x11: {  	[smem:$0x3FB1] =	sst s9;
	s0 =	simm.s32 @!p0 $0x0  }
0x12: {  	s1 =	sld [smem:$0x3F97];
	s0 =	simm.s32 @p0 $0x1  }
0x13: {  	[smem:$0x3FB2] =	sst s0;
	s0 =	simm.s32 @!p1 $0x0  }
0x14: {  	s2 =	sld [smem:$0x3F96];
	s0 =	simm.s32 @p1 $0x1  }
0x15: {  	[smem:$0x3FB3] =	sst s0;
	s0 =	simm.s32 @!p2 $0x0  }
0x16: {  	s3 =	sld [smem:$0x3FDB];
	s0 =	simm.s32 @p2 $0x1  }
0x17: {  	s4 =	simm.s32 $0x1BF5;
	[smem:$0x3FB5] =	sst s0  }
0x18: {  	s0 =	sld [smem:$0x3F98];
	_ =	swait.ge [sflag:s4], $0x0  }
0x19: {  	s7 =	sld [smem:$0x3F99]  }
0x1a: {  	s8 =	sadd.s32 $0xFFFFE003, lr  }
0x1b: {  	s9 =	sadd.s32 $0xFFFFFEF7, lr;
	s5 =	simm.s32 $0xFFFFFFFF;
	p2 =	slt.u32 s8, $0xFFFFF086  }
0x1c: {  	p1 =	slt.u32 s9, $0xF7A;
	s5 =	simm.s32 @!p2 $0x0  }
0x1d: {  	s5 =	simm.s32 @p1 $0x1;
	p0 =	seq.s32 s7, s2  }
0x1e: {  	s7 =	smul.u32 @!p0 $0xF7A, s2;
	p2 =	seq.s32 @!p0 s5, $0x0  }
0x1f: {  	s9 =	smul.u32 $0xF7A, s1;
	s8 =	simm.s32 @!p0 $0x1BF5;
	p2 =	por !p2, p0  }
0x20: {  	[sflag:s8] =	ssyncset.s32 @!p0 $0xFFFFF086;
	s6 =	sadd.s32 @!p0 s3, s7;
	s7 =	simm.s32 @!p0 $0x108  }
0x21: {  	s3 =	sadd.s32 s3, s9;
	s6 =	sadd.s32 @!p0 $0x88, s6;
	s7 =	simm.s32 @p2 $0x1082  }
0x22: {  	[simem:s7], [sflag:s8] =	dma.local @!p0 [hbm:s6], $0xF7A  }
0x23: {  	s9 =	sor.u32 $0xD0000000, s2;
	s6 =	simm.s32 $0x108;
	_ =	swait.ge @!p0 [sflag:s8], $0x0  }
0x24: {  	s3 =	sadd.s32 $0x88, s3;
	s6 =	simm.s32 @!p1 $0x1082;
	[sflag:s4] =	ssyncset.s32 $0xFFFFF086  }
0x25: {  	[simem:s6], [sflag:s4] =	dma.local [hbm:s3], $0xF7A  }
0x26: {  	[smem:$0x3F99] =	sst s1;
	(tag) =	ssettag s2;
	_ =	strace s9  }
0x27: {  	s1 =	sld [smem:$0x3FA9]  }
0x28: {  	s2 =	sld [smem:$0x3FAA]  }
0x29: {  	s4 =	sld [smem:$0x3FAC]  }
0x2a: {  	p0 =	seq.s32 s5, $0x0;
	s5 =	sld [smem:$0x3FAD]  }
0x2b: {  	s6 =	sld [smem:$0x3FAE]  }
0x2c: {  	s7 =	sld [smem:$0x3FAF]  }
0x2d: {  	s3 =	simm.s32 $0x108;
	s8 =	sld [smem:$0x3FB0]  }
0x2e: {  	s3 =	simm.s32 @!p0 $0x1082;
	s9 =	sld [smem:$0x3FB1]  }
0x2f: {  	lr =	sadd.s32 s0, s3;
	s0 =	sld [smem:$0x3FA8]  }
0x30: {  	s3 =	sld [smem:$0x3FAB]  }
0x31: {  	[smem:$0x3FB4] =	sst s10  }
0x32: {  	s10 =	sld [smem:$0x3FB2];
	_ =	sdelay $0x3  }
0x33: {  	p0 =	seq.s32 s10, $0x1;
	s10 =	sld [smem:$0x3FB4];
	_ =	sdelay $0x3  }
0x34: {  	[smem:$0x3FB4] =	sst s10  }
0x35: {  	s10 =	sld [smem:$0x3FB3];
	_ =	sdelay $0x3  }
0x36: {  	p1 =	seq.s32 s10, $0x1;
	s10 =	sld [smem:$0x3FB4];
	_ =	sdelay $0x3  }
0x37: {  	[smem:$0x3FB4] =	sst s10  }
0x38: {  	s10 =	sld [smem:$0x3FB5]  }
0x39: {  	_ = 	snop;
	(pc) =	sbr.ind lr, $3  }
0x3a: {  	_ = 	snop  }
0x3b: {  	_ = 	snop  }
0x3c: {  	p2 =	seq.s32 s10, $0x1;
	s10 =	sld [smem:$0x3FB4]  }
0x3d: {  	_ =	shalt  }
0x3e: {  	_ =	shalt  }
0x3f: {  	_ =	shalt  }
0x40: {  	_ =	shalt  }
0x41: {  	_ =	shalt  }
0x42: {  	_ =	shalt  }
0x43: {  	_ =	shalt  }
0x44: {  	_ =	shalt  }
0x45: {  	_ =	shalt  }
0x46: {  	_ =	shalt  }
0x47: {  	_ =	shalt  }
0x48: {  	_ =	shalt  }
0x49: {  	_ =	shalt  }
0x4a: {  	_ =	shalt  }
0x4b: {  	_ =	shalt  }
0x4c: {  	_ =	shalt  }
0x4d: {  	_ =	shalt  }
0x4e: {  	_ =	shalt  }
0x4f: {  	_ =	shalt  }
0x50: {  	_ =	shalt  }
0x51: {  	_ =	shalt  }
0x52: {  	_ =	shalt  }
0x53: {  	_ =	shalt  }
0x54: {  	_ =	shalt  }
0x55: {  	_ =	shalt  }
0x56: {  	_ =	shalt  }
0x57: {  	_ =	shalt  }
0x58: {  	_ =	shalt  }
0x59: {  	_ =	shalt  }
0x5a: {  	_ =	shalt  }
0x5b: {  	_ =	shalt  }
0x5c: {  	_ =	shalt  }
0x5d: {  	_ =	shalt  }
0x5e: {  	_ =	shalt  }
0x5f: {  	_ =	shalt  }
0x60: {  	_ =	shalt  }
0x61: {  	_ =	shalt  }
0x62: {  	_ =	shalt  }
0x63: {  	_ =	shalt  }
0x64: {  	_ =	shalt  }
0x65: {  	_ =	shalt  }
0x66: {  	_ =	shalt  }
0x67: {  	_ =	shalt  }
0x68: {  	_ =	shalt  }
0x69: {  	_ =	shalt  }
0x6a: {  	_ =	shalt  }
0x6b: {  	_ =	shalt  }
0x6c: {  	_ =	shalt  }
0x6d: {  	_ =	shalt  }
0x6e: {  	_ =	shalt  }
0x6f: {  	_ =	shalt  }
0x70: {  	_ =	shalt  }
0x71: {  	_ =	shalt  }
0x72: {  	_ =	shalt  }
0x73: {  	_ =	shalt  }
0x74: {  	_ =	shalt  }
0x75: {  	_ =	shalt  }
0x76: {  	_ =	shalt  }
0x77: {  	_ =	shalt  }
0x78: {  	_ =	shalt  }
0x79: {  	_ =	shalt  }
0x7a: {  	_ =	shalt  }
0x7b: {  	_ =	shalt  }
0x7c: {  	_ =	shalt  }
0x7d: {  	_ =	shalt  }
0x7e: {  	_ =	shalt  }
0x7f: {  	_ =	shalt  }
0x80: {  	_ =	shalt  }
0x81: {  	_ =	shalt  }
0x82: {  	_ =	shalt  }
0x83: {  	_ =	shalt  }
0x84: {  	_ =	shalt  }
0x85: {  	_ =	shalt  }
0x86: {  	_ =	shalt  }
0x87: {  	_ =	shalt  }
.Lfunc_end0:
.L_simem_size_0:
called_computation.1_lowered:
.L_overlay_start_0:
0x88: {  	s2 =	sld [smem:$0x3FD9]  }
0x89: {  	s3 =	sld [smem:$0x3FFE];
	_ =	sdelay $0x1  }
0x8a: {  	s1 =	srdreg.scid  }
0x8b: {  	s0 =	sand.u32 $0x1, s1  }
0x8c: {  	s17 =	sshll.u32 s0, $0xA;
	s2 =	sadd.s32 s3, s2  }
0x8d: {  	s2 =	sadd.s32 s2, s17  }
0x8e: {  	[smem:$0x3FC0] =	sst s2  }
0x8f: {  	_ = 	snop  }
0x90: {  	(tm) =	ssettm $0x1  }
0x91: {  	s18 =	sld [smem:$0x3FFB];
	_ =	sdelay $0x3  }
0x92: {  	_ =	strace s18  }
0x93: {  	s2 =	sld [smem:$0x3FFC];
	_ =	sdelay $0x3  }
0x94: {  	_ =	strace s2  }
0x95: {  	s2 =	sld [smem:$0x3FFD];
	_ =	sdelay $0x3  }
0x96: {  	_ =	strace s2  }
0x97: {  	_ =	strace $0x8FFFFFFF  }
0x98: {  	s19 =	sld [smem:$0x3FDB];
	_ =	sdelay $0x1  }
0x99: {  	s20 =	simm.s32 $_scs_section_size  }
0x9a: {  	s4 =	simm.s32 $_size__tile_overlayer_lowered;
	s5 =	simm.s32 $_tile_overlayer_lowered  }
0x9b: {  	s6 =	simm.s32 $0x1BFF;
	s21 =	sshll.u32 s5, $0x1;
	s3 =	sadd.s32 s20, s19  }
0x9c: {  	s22 =	simm.s32 $0x0;
	s4 =	sshll.u32 s4, $0x1;
	s5 =	sadd.s32 s21, s3  }
0x9d: {  	[timem:s22], [sflag:s6] =	dma.local [hbm:s5], s4  }
0x9e: {  	_ =	swait.ge [sflag:s6], s4  }
0x9f: {  	s4 =	ssub.s32 $0x0, s4;
	[sflag:s6] =	ssyncset.done $0x0  }
0xa0: {  	[sflag:s6] =	ssyncadd.s32 s4;
	_ =	sdelay $0x1  }
0xa1: {  	s23 =	simm.s32 $0x1B8B  }
0xa2: {  	_ =	swait.ge [sflag:s23], $0x1  }
0xa3: {  	[sflag:s23] =	ssyncset.done $0x0  }
0xa4: {  	[sflag:s23] =	ssyncadd.s32 $0xFFFFFFFF  }
0xa5: {  	s4 =	sld [smem:$0x0]  }
0xa6: {  	s5 =	sand.u32 $0xFFFFFFFE, s1  }
0xa7: {  	p0 =	sne.s32 s1, s5  }
0xa8: {  	s5 =	sshll.u32 @p0 s5, $0xE  }
0xa9: {  	s5 =	sadd.s32 @p0 $0x11B8D, s5;
	s6 =	sshll.u32 @p0 s4, $0x11  }
0xaa: {  	s5 =	sor.u32 @p0 s6, s5  }
0xab: {  	[sflag:s5] =	ssyncadd.remote.s32 @p0 $0x1;
	_ =	sdelay $0x1  }
0xac: {  	s5 =	simm.s32 @p0 $0x1B8D  }
0xad: {  	_ =	swait.eq @p0 [sflag:s5], $0x1  }
0xae: {  	[sflag:s5] =	ssyncadd.s32 @p0 $0xFFFFFFFF  }
0xaf: {  	s6 =	sshll.u32 @!p0 s1, $0xE  }
0xb0: {  	s6 =	sor.u32 @!p0 $0x4000, s6;
	s5 =	simm.s32 @!p0 $0x1B8D  }
0xb1: {  	s4 =	sshll.u32 @!p0 s4, $0x11;
	s6 =	sadd.s32 @!p0 $0x11B8D, s6;
	_ =	swait.eq @!p0 [sflag:s5], $0x1  }
0xb2: {  	s4 =	sor.u32 @!p0 s4, s6;
	[sflag:s5] =	ssyncadd.s32 @!p0 $0xFFFFFFFF  }
0xb3: {  	s25 =	simm.s32 $0x1B8E;
	s24 =	sld [smem:$0x3FFE];
	[sflag:s4] =	ssyncadd.remote.s32 @!p0 $0x1  }
0xb4: {  	s26 =	simm.s32 $execute0_lowered;
	[smem:$0x3FD2] =	sst s25  }
0xb5: {  	s5 =	sshll.u32 s26, $0x1;
	_ =	strace $0x80000049;
	[dreg:$0x1] =	wrdreg $0xFFFFFFFF  }
0xb6: {  	s28 =	simm.s32 $_size_execute0_lowered;
	s3 =	sadd.s32 s3, s5;
	[dreg:$0x0] =	wrdreg $0x0  }
0xb7: {  	s5 =	sshll.u32 s28, $0x1;
	[dreg:$0x2] =	wrdreg s3  }
0xb8: {  	[dreg:$0x3] =	wrdreg s5  }
0xb9: {  	[dreg:$0x4] =	wrdreg $0xC0  }
0xba: {  	_ =	task [dreg:s22], $0x5FFFF  }
0xbb: {  	[dreg:$0x1] =	wrdreg $0xFFFFFFFF  }
0xbc: {  	[dreg:$0x0] =	wrdreg $0x60  }
0xbd: {  	[dreg:$0x2] =	wrdreg s24  }
0xbe: {  	[dreg:$0x3] =	wrdreg $0xA  }
0xbf: {  	_ =	task.clear_ibuf [dreg:s22], $0x4FFFF;
	_ =	strace $0x90000049  }
0xc0: {  	s29 =	simm.s32 $0xA;
	_ =	strace $0x8000004B  }
0xc1: {  	_ =	swait.ge [sflag:s29], $0x1  }
0xc2: {  	[sflag:s29] =	ssyncadd.s32 $0xFFFFFFFF  }
0xc3: {  	_ =	strace $0x9000004B  }
0xc4: {  	_ =	sfence  }
0xc5: {  	s30 =	sld [smem:$0x0];
	_ =	sdelay $0x2  }
0xc6: {  	s31 =	sshll.u32 s1, $0xD;
	s1 =	sshrl.u32 s1, $0x2  }
0xc7: {  	s4 =	sand.u32 $0x4000, s31;
	s1 =	sadd.s32 s1, s30  }
0xc8: {  	s0 =	sor.u32 s4, s0;
	s1 =	sshll.u32 s1, $0x11  }
0xc9: {  	s0 =	sor.u32 s1, s0  }
0xca: {  	s0 =	sadd.s32 $0x8F2B, s0  }
0xcb: {  	[sflag:s0] =	ssyncadd.remote.s32 $0x1  }
0xcc: {  	_ =	sfence.sel $0xFFFF  }
0xcd: {  	[dreg:$0x0] =	wrdreg $0xFFFFFFFF;
	(pc) =	sbr.abs _section_cstart, $3  }
0xce: {  	[dreg:$0x1] =	wrdreg $0xFFFFFFFF  }
0xcf: {  	_ =	task.clear_ibuf [dreg:s22], $0x2FFFF;
	_ =	strace $0x9FFFFFFF  }
0xd0: {  	(tm) =	ssettm $0x7FFFFFFF  }
0xd1: {  	_ =	shalt  }
tec
execute0_lowered:
.L_overlay_start_1:
0x0: {  	(tag) =	ssettag $0x1  }
0x1: {  	s0 =	srdreg.scid  }
0x2: {  	s10 =	rddreg [dreg:$0x0];
	s13 =	sand.u32 $0x1, s0  }
0x3: {  	s1 =	stileid.u32;
	s2 =	simm.s32 $0x0;
	s3 =	sshll.u32 s13, $0x6  }
0x4: {  	s0 =	rddreg [dreg:$0x1];
	s4 =	sshll.u32 s1, $0x7;
	s3 =	sadd.s32 s3, s10  }
0x5: {  	[smem:$0x7FF] =	sst s2;
	s3 =	sadd.s32 s4, s3  }
0x6: {  	_ =	strace $0x8000004A;
	s4 =	sadd.s32 $0x5E00, s3;
	s3 =	simm.s32 $0x2  }
0x7: {  	[tilespmem:s2], [sflag:$0x2] =	stream.linear.gather [hbm4b:s4+s2], $0x200, $0x38;
	[tilespmem:$0x8200] =	vst v63  }
0x8: {  	_ =	swait.ge [sflag:s3], $0x200  }
0x9: {  	s6 =	simm.s32 $0x80;
	[sflag:s3] =	ssyncset.done $0x0  }
0xa: {  	s7 =	simm.s32 $0x200;
	s5 =	sadd.s32 $0x46600, s10;
	[sflag:s3] =	ssyncadd.s32 $0xFFFFFE00  }
0xb: {  	[tilespmem:s7], [sflag:$0x1] =	stream.indirect.gather [hbm4b:s5+s6], $0x80, s2, s6, $0xb8;
	[tilespmem:$0x8200] =	vst v63  }
0xc: {  	s8 =	simm.s32 $0x4200;
	s9 =	simm.s32 $0x1  }
0xd: {  	[tilespmem:s8], [sflag:$0x1] =	stream.indirect.gather [hbm4b:s5+s6], $0x80, s6, s6, $0xb8;
	[tilespmem:$0x8200] =	vst v63  }
0xe: {  	_ =	swait.ge [sflag:s9], $0x4000  }
0xf: {  	[sflag:s9] =	ssyncset.done $0x0  }
0x10: {  	s11 =	sshll.u32 s1, $0xE;
	s12 =	sshll.u32 s13, $0xD;
	[sflag:s9] =	ssyncadd.s32 $0xFFFFC000  }
0x11: {  	s11 =	sor.u32 s12, s11;
	_ =	swait.ge [sflag:s9], $0x4000  }
0x12: {  	s14 =	sadd.s32 s11, s10;
	[sflag:s9] =	ssyncset.done $0x0  }
0x13: {  	s10 =	sadd.s32 $0x109C00, s14;
	[sflag:s9] =	ssyncadd.s32 $0xFFFFC000  }
0x14: {  	[hbm4b:s10+s2] =	stream.linear.scatter [tilespmem:s7], [sflag:$0x2], $0x8000, $0x38;
	[tilespmem:$0x8200] =	vst v63  }
0x15: {  	_ =	swait.ge [sflag:s3], $0x8000  }
0x16: {  	[sflag:s3] =	ssyncset.done $0x0  }
0x17: {  	s11 =	simm.s32 $0x100;
	[sflag:s3] =	ssyncadd.s32 $0xFFFF8000  }
0x18: {  	[tilespmem:s7], [sflag:$0x1] =	stream.indirect.gather [hbm4b:s5+s6], $0x80, s11, s6, $0xb8;
	[tilespmem:$0x8200] =	vst v63  }
0x19: {  	s13 =	ssub.s32 $0x2, s13;
	s12 =	simm.s32 $0x180  }
0x1a: {  	[tilespmem:s8], [sflag:$0x1] =	stream.indirect.gather [hbm4b:s5+s6], $0x80, s12, s6, $0xb8;
	[tilespmem:$0x8200] =	vst v63  }
0x1b: {  	s15 =	sshrl.u32 s13, $0x1;
	_ =	swait.ge [sflag:s9], $0x4000  }
0x1c: {  	s15 =	ssub.s32 s13, s15;
	[sflag:s9] =	ssyncset.done $0x0  }
0x1d: {  	s31 =	smax.u32 s15, $0x1;
	[sflag:s9] =	ssyncadd.s32 $0xFFFFC000  }
0x1e: {  	p0 =	sne.s32 s31, $0x1;
	_ =	swait.ge [sflag:s9], $0x4000  }
.Ltmp0:
0x1f: {  	[sflag:s9] =	ssyncset.done $0x0;
	(pc) =	sbr.rel @!p0 .LBB2_2-.Ltmp0, $4  }
0x20: {  	s13 =	sadd.s32 $0x10AC00, s14;
	[sflag:s9] =	ssyncadd.s32 $0xFFFFC000  }
0x21: {  	[hbm4b:s13+s2] =	stream.linear.scatter [tilespmem:s7], [sflag:$0x2], $0x8000, $0x38;
	[tilespmem:$0x8200] =	vst v63  }
0x22: {  	_ =	swait.ge [sflag:s3], $0x8000  }
0x23: {  	s14 =	sadd.s32 $0xFFFFFFFF, s31;
	[sflag:s3] =	ssyncset.done $0x0  }
.LBB2_1:
0x24: {  	p0 =	sne.s32 s14, $0x1;
	s14 =	sadd.s32 $0xFFFFFFFF, s14;
	[sflag:s3] =	ssyncadd.s32 $0xFFFF8000  }
0x25: {  	[tilespmem:s2], [sflag:$0x2] =	stream.linear.gather [hbm4b:s4+s2], $0x200, $0x38;
	[tilespmem:$0x8200] =	vst v63  }
0x26: {  	_ =	swait.ge [sflag:s3], $0x200  }
0x27: {  	[sflag:s3] =	ssyncset.done $0x0  }
0x28: {  	[sflag:s3] =	ssyncadd.s32 $0xFFFFFE00  }
0x29: {  	[tilespmem:s7], [sflag:$0x1] =	stream.indirect.gather [hbm4b:s5+s6], $0x80, s2, s6, $0xb8;
	[tilespmem:$0x8200] =	vst v63  }
0x2a: {  	_ = 	snop  }
0x2b: {  	[tilespmem:s8], [sflag:$0x1] =	stream.indirect.gather [hbm4b:s5+s6], $0x80, s6, s6, $0xb8;
	[tilespmem:$0x8200] =	vst v63  }
0x2c: {  	_ =	swait.ge [sflag:s9], $0x4000  }
0x2d: {  	[sflag:s9] =	ssyncset.done $0x0  }
0x2e: {  	[sflag:s9] =	ssyncadd.s32 $0xFFFFC000  }
0x2f: {  	_ =	swait.ge [sflag:s9], $0x4000  }
0x30: {  	[sflag:s9] =	ssyncset.done $0x0  }
0x31: {  	[sflag:s9] =	ssyncadd.s32 $0xFFFFC000  }
0x32: {  	[hbm4b:s10+s2] =	stream.linear.scatter [tilespmem:s7], [sflag:$0x2], $0x8000, $0x38;
	[tilespmem:$0x8200] =	vst v63  }
0x33: {  	_ =	swait.ge [sflag:s3], $0x8000  }
0x34: {  	[sflag:s3] =	ssyncset.done $0x0  }
0x35: {  	[sflag:s3] =	ssyncadd.s32 $0xFFFF8000  }
0x36: {  	[tilespmem:s7], [sflag:$0x1] =	stream.indirect.gather [hbm4b:s5+s6], $0x80, s11, s6, $0xb8;
	[tilespmem:$0x8200] =	vst v63  }
0x37: {  	_ = 	snop  }
0x38: {  	[tilespmem:s8], [sflag:$0x1] =	stream.indirect.gather [hbm4b:s5+s6], $0x80, s12, s6, $0xb8;
	[tilespmem:$0x8200] =	vst v63  }
0x39: {  	_ =	swait.ge [sflag:s9], $0x4000  }
0x3a: {  	[sflag:s9] =	ssyncset.done $0x0  }
0x3b: {  	[sflag:s9] =	ssyncadd.s32 $0xFFFFC000  }
0x3c: {  	_ =	swait.ge [sflag:s9], $0x4000  }
.Ltmp1:
0x3d: {  	[sflag:s9] =	ssyncset.done $0x0;
	(pc) =	sbr.rel @p0 .LBB2_1-.Ltmp1, $4  }
0x3e: {  	[sflag:s9] =	ssyncadd.s32 $0xFFFFC000  }
0x3f: {  	[hbm4b:s13+s2] =	stream.linear.scatter [tilespmem:s7], [sflag:$0x2], $0x8000, $0x38;
	[tilespmem:$0x8200] =	vst v63  }
0x40: {  	_ =	swait.ge [sflag:s3], $0x8000  }
0x41: {  	[sflag:s3] =	ssyncset.done $0x0  }
.LBB2_2:
0x42: {  	[sflag:s3] =	ssyncadd.s32 $0xFFFF8000  }
0x43: {  	_ =	sfence.sel $0x180000  }
0x44: {  	[bflag:$0x0] =	sbarrier.arrive $0xFFFF  }
0x45: {  	p0 =	sne.s32 s1, $0x0;
	_ =	strace $0x9000004A  }
0x46: {  	s0 =	sadd.s32 @!p0 $0x100000, s0;
	[bflag:$0x2] =	sbarrier.arrive $0xFFFF  }
0x47: {  	[sflag:s0] =	ssyncadd.tile.s32 @!p0 $0x1;
	_ =	shalt  }
.Lfunc_end2:
_tile_overlayer_lowered:
.L_overlay_start_2:
0x48: {  	(tag) =	ssettag $0x2  }
0x49: {  	s0 =	rddreg [dreg:$0x0];
	s2 =	stileid.u32  }
0x4a: {  	s1 =	rddreg [dreg:$0x1];
	p0 =	sne.s32 s2, $0x0  }
0x4b: {  	s3 =	rddreg [dreg:$0x2];
	[bflag:$0x3] =	sbarrier.arrive $0xFFFF;
	s2 =	simm.s32 @!p0 $0x1C02  }
0x4c: {  	[timem:s3], [sflag:s2] =	dma.local @!p0 [hbm:s0], s1  }
0x4d: {  	s0 =	simm.s32 @!p0 $0x2  }
0x4e: {  	_ =	swait.ge @!p0 [sflag:s0], s1  }
0x4f: {  	s1 =	ssub.s32 @!p0 $0x0, s1;
	[sflag:s0] =	ssyncset.done @!p0 $0x0  }
0x50: {  	[sflag:s0] =	ssyncadd.s32 @!p0 s1  }
0x51: {  	[bflag:$0x3] =	sbarrier.arrive $0xFFFF  }
0x52: {  	_ =	shalt  }

</sc_bundles>
